<compile_context>
chip_gen: v7x
topology: tpu7x:2x2x1
jax: 0.10.2.dev20260603
libtpu: 0.0.44.dev20260713+nightly
codegen_flags: <defaults>
</compile_context>

<pallas_src>
import functools

import jax
import jax.numpy as jnp
from jax import lax
from jax.experimental import pallas as pl
from jax.experimental.pallas import tpu as pltpu
from jax.experimental.pallas import tpu_sc as plsc

_NC = 2
_NS = 16
_NW = _NC * _NS
_B = 80
_L = 16

_GATHER_DN = lax.GatherDimensionNumbers(
    offset_dims=(), collapsed_slice_dims=(0,), start_index_map=(0,))


def _bcast_lane(vec, e):
    idx = jnp.full((_L, 1), e, jnp.int32)
    return lax.gather(vec, idx, _GATHER_DN, (1,),
                      mode=lax.GatherScatterMode.PROMISE_IN_BOUNDS)


def _sc_body(E, N, D, src_h, dst_h, val_h, emb_h, zer_h, out_h,
             src_v, dst_v, val_v, rows_v, acc_s, sem):
    c = lax.axis_index("c")
    s = lax.axis_index("s")
    wid = c * _NS + s

    rpt = N // _NS
    pltpu.sync_copy(zer_h.at[pl.ds(s * rpt, rpt)], acc_s.at[pl.ds(s * rpt, rpt)])
    plsc.subcore_barrier()

    epw = E // _NW
    nb = epw // _B
    base_w = wid * epw

    def batch(i, carry):
        base = base_w + i * _B
        pltpu.sync_copy(src_h.at[pl.ds(base, _B)], src_v)
        pltpu.sync_copy(dst_h.at[pl.ds(base, _B)], dst_v)
        pltpu.sync_copy(val_h.at[pl.ds(base, _B)], val_v)
        pltpu.async_copy(emb_h.at[src_v], rows_v, sem).wait()

        def grp(g, c2):
            vals = val_v[pl.ds(g * _L, _L)]
            for e in range(_L):
                bv = _bcast_lane(vals, e)
                r = g * _L + e
                for j in range(D // _L):
                    rows_v[r, pl.ds(j * _L, _L)] = (
                        rows_v[r, pl.ds(j * _L, _L)] * bv)
            return c2

        lax.fori_loop(0, _B // _L, grp, 0)
        pltpu.sync_copy(rows_v, acc_s.at[dst_v], add=True)
        return carry

    lax.fori_loop(0, nb, batch, 0)
    plsc.subcore_barrier()
    pltpu.sync_copy(acc_s.at[pl.ds(s * rpt, rpt)],
                    out_h.at[c, pl.ds(s * rpt, rpt)])


def _sum_body(p_ref, o_ref):
    o_ref[...] = p_ref[0] + p_ref[1]


@functools.partial(jax.jit, static_argnums=())
def _spmm(src, dst, vals, embeds, zeros):
    E = src.shape[0]
    N, D = embeds.shape
    Np = zeros.shape[0]

    sc_fn = pl.kernel(
        functools.partial(_sc_body, E, Np, D),
        out_type=jax.ShapeDtypeStruct((_NC, Np, D), jnp.float32),
        mesh=plsc.VectorSubcoreMesh(core_axis_name="c", subcore_axis_name="s"),
        scratch_types=[
            pltpu.VMEM((_B,), jnp.int32),
            pltpu.VMEM((_B,), jnp.int32),
            pltpu.VMEM((_B,), jnp.float32),
            pltpu.VMEM((_B, D), jnp.float32),
            pltpu.VMEM_SHARED((Np, D), jnp.float32),
            pltpu.SemaphoreType.DMA,
        ],
    )
    partial = sc_fn(src, dst, vals, embeds, zeros)

    R = 1024
    out = pl.pallas_call(
        _sum_body,
        grid=(Np // R,),
        in_specs=[pl.BlockSpec((_NC, R, D), lambda i: (0, i, 0))],
        out_specs=pl.BlockSpec((R, D), lambda i: (i, 0)),
        out_shape=jax.ShapeDtypeStruct((Np, D), jnp.float32),
    )(partial)
    return out[:N]


def kernel(edge_index, edge_values, embeds):
    dst = edge_index[0].astype(jnp.int32)
    src = edge_index[1].astype(jnp.int32)
    vals = edge_values.astype(jnp.float32)
    N, D = embeds.shape
    E = src.shape[0]

    chunk = _NW * _B
    Ep = ((E + chunk - 1) // chunk) * chunk
    if Ep != E:
        pad = Ep - E
        src = jnp.concatenate([src, jnp.zeros((pad,), jnp.int32)])
        dst = jnp.concatenate([dst, jnp.zeros((pad,), jnp.int32)])
        vals = jnp.concatenate([vals, jnp.zeros((pad,), jnp.float32)])

    Np = ((N + 1023) // 1024) * 1024
    zeros = jnp.zeros((Np, D), jnp.float32)
    if Np != N:
        embeds = jnp.pad(embeds, ((0, Np - N), (0, 0)))
    return _spmm(src, dst, vals, embeds, zeros)[:N]

# --- scband reference (transcript-rebuilt; emitter-appended) ---
"""Pipeline reference for scband-gcnlayer-11879879541106 (READ-ONLY COPY).

The authoritative reference and input builder live on the scoring server;
editing this copy changes nothing except your own understanding.
"""

import jax, jax.numpy as jnp
import numpy as np

N = 10000
E = 320000
D = 128


def setup_inputs(seed: int = 0) -> dict:
    key = jax.random.key(seed)
    k1, k2, k3 = jax.random.split(key, 3)
    edge_index = jax.random.randint(k1, (2, E), 0, N, dtype=jnp.int64)
    edge_values = jax.random.uniform(k2, (E,), dtype=jnp.float32)
    embeds = jax.random.normal(k3, (N, D), dtype=jnp.float32)
    return {"edge_index": edge_index, "edge_values": edge_values, "embeds": embeds}


def reference(edge_index, edge_values, embeds):
    # torch.spmm(adj, embeds) with adj given in COO form:
    # edge_index[0] = row (dst), edge_index[1] = col (src), edge_values = nonzeros.
    dst = edge_index[0]
    src = edge_index[1]
    gathered = jnp.take(embeds, src, axis=0) * edge_values[:, None]
    out = jnp.zeros((embeds.shape[0], embeds.shape[1]), dtype=embeds.dtype).at[dst].add(gathered)
    return out

if __name__ == "__main__":
    import jax
    _d = setup_inputs()
    print(jax.jit(kernel)(*tuple(_d.values())))

</pallas_src>

<mosaic_0001>
#map = affine_map<(d0, d1) -> (0)>
#map1 = affine_map<(d0, d1) -> (0, 0)>
#map2 = affine_map<(d0, d1) -> (0, 0, 0)>
module attributes {stable_mosaic.version = 14 : i64} {
  func.func @_sc_body(%arg0: i32, %arg1: i32, %arg2: memref<320000xi32, #tpu.memory_space<hbm>>, %arg3: memref<320000xi32, #tpu.memory_space<hbm>>, %arg4: memref<320000xf32, #tpu.memory_space<hbm>>, %arg5: memref<10240x128xf32, #tpu.memory_space<hbm>>, %arg6: memref<10240x128xf32, #tpu.memory_space<hbm>>, %arg7: memref<2x10240x128xf32, #tpu.memory_space<hbm>>, %arg8: memref<80xi32, #tpu.memory_space<vmem>>, %arg9: memref<80xi32, #tpu.memory_space<vmem>>, %arg10: memref<80xf32, #tpu.memory_space<vmem>>, %arg11: memref<80x128xf32, #tpu.memory_space<vmem>>, %arg12: memref<10240x128xf32, #tpu.memory_space<vmem_shared>>, %arg13: memref<!tpu.dma_semaphore, #tpu.memory_space<semaphore_mem>>) attributes {dimension_semantics = [#tpu.dimension_semantics<core_parallel>, #tpu.dimension_semantics<subcore_parallel>], iteration_bounds = array<i64: 2, 16>, scalar_prefetch = 0 : i64, scratch_operands = 6 : i64, tpu.core_type = #tpu.core_type<sc_vector_subcore>, window_params = [{transform_indices = #map}, {transform_indices = #map}, {transform_indices = #map}, {transform_indices = #map1}, {transform_indices = #map1}, {transform_indices = #map2}]} {
    %mul3A = arith.constant 16 : i32
    %mul3A_0 = arith.muli %arg0, %mul3A : i32
    %add3A = arith.addi %mul3A_0, %arg1 : i32
    %mul3A_1 = arith.constant 640 : i32
    %mul3A_2 = arith.muli %arg1, %mul3A_1 : i32
    %mul3A_3 = arith.constant 640 : i32
    %mul3A_4 = arith.muli %arg1, %mul3A_3 : i32
    "tpu.region"() ({
      %run_scoped3A = tpu.sem_alloc : memref<!tpu.dma_semaphore, #tpu.memory_space<semaphore_mem>>
      %dma_start3A = arith.constant 0 : i32
      %dma_start3A_17 = tpu.memref_slice %arg12[%mul3A_4, %dma_start3A] : memref<10240x128xf32, #tpu.memory_space<vmem_shared>> -> memref<640x128xf32, #tpu.memory_space<vmem_shared>>
      %dma_start3A_18 = arith.constant 0 : i32
      %dma_start3A_19 = tpu.memref_slice %arg6[%mul3A_2, %dma_start3A_18] : memref<10240x128xf32, #tpu.memory_space<hbm>> -> memref<640x128xf32, #tpu.memory_space<hbm>>
      tpu.enqueue_dma source(%dma_start3A_19 : memref<640x128xf32, #tpu.memory_space<hbm>>) target(%dma_start3A_17 : memref<640x128xf32, #tpu.memory_space<vmem_shared>>) target_semaphore(%run_scoped3A : memref<!tpu.dma_semaphore, #tpu.memory_space<semaphore_mem>>)
      %dma_wait3A = arith.constant 0 : i32
      %dma_wait3A_20 = tpu.memref_slice %arg12[%mul3A_4, %dma_wait3A] : memref<10240x128xf32, #tpu.memory_space<vmem_shared>> -> memref<640x128xf32, #tpu.memory_space<vmem_shared>>
      %dma_wait3A_21 = arith.constant 0 : i32
      %dma_wait3A_22 = tpu.memref_slice %arg6[%mul3A_2, %dma_wait3A_21] : memref<10240x128xf32, #tpu.memory_space<hbm>> -> memref<640x128xf32, #tpu.memory_space<hbm>>
      tpu.wait_dma2 semaphore(%run_scoped3A : memref<!tpu.dma_semaphore, #tpu.memory_space<semaphore_mem>>) src(%dma_wait3A_22 : memref<640x128xf32, #tpu.memory_space<hbm>>) dst(%dma_wait3A_20 : memref<640x128xf32, #tpu.memory_space<vmem_shared>>)
      tpu.yield
    }) : () -> ()
    %barrier3A = arith.constant 0 : index
    tpu.barrier barrier_id(%barrier3A)
    %mul3A_5 = arith.constant 10000 : i32
    %mul3A_6 = arith.muli %add3A, %mul3A_5 : i32
    %scan3A = arith.constant 0 : i32
    %scan3A_7 = arith.constant 0 : i32
    %scan3A_8 = arith.constant 125 : i32
    %scan3A_9 = arith.addi %scan3A_7, %scan3A_8 : i32
    %scan3A_10 = arith.constant 1 : i32
    scf.for %scan3A_17 = %scan3A_7 to %scan3A_9 step %scan3A_10  : i32 {
      %mul3A_18 = arith.constant 80 : i32
      %mul3A_19 = arith.muli %scan3A_17, %mul3A_18 : i32
      %add3A_20 = arith.addi %mul3A_6, %mul3A_19 : i32
      "tpu.region"() ({
        %run_scoped3A = tpu.sem_alloc : memref<!tpu.dma_semaphore, #tpu.memory_space<semaphore_mem>>
        %dma_start3A_31 = tpu.memref_slice %arg2[%add3A_20] : memref<320000xi32, #tpu.memory_space<hbm>> -> memref<80xi32, #tpu.memory_space<hbm>>
        %dma_start3A_32 = tpu.memref_slice %arg2[%add3A_20] : memref<320000xi32, #tpu.memory_space<hbm>> -> memref<80xi32, #tpu.memory_space<hbm>>
        tpu.enqueue_dma source(%dma_start3A_32 : memref<80xi32, #tpu.memory_space<hbm>>) target(%arg8 : memref<80xi32, #tpu.memory_space<vmem>>) target_semaphore(%run_scoped3A : memref<!tpu.dma_semaphore, #tpu.memory_space<semaphore_mem>>)
        %dma_wait3A_33 = tpu.memref_slice %arg2[%add3A_20] : memref<320000xi32, #tpu.memory_space<hbm>> -> memref<80xi32, #tpu.memory_space<hbm>>
        %dma_wait3A_34 = tpu.memref_slice %arg2[%add3A_20] : memref<320000xi32, #tpu.memory_space<hbm>> -> memref<80xi32, #tpu.memory_space<hbm>>
        tpu.wait_dma2 semaphore(%run_scoped3A : memref<!tpu.dma_semaphore, #tpu.memory_space<semaphore_mem>>) src(%dma_wait3A_34 : memref<80xi32, #tpu.memory_space<hbm>>) dst(%arg8 : memref<80xi32, #tpu.memory_space<vmem>>)
        tpu.yield
      }) : () -> ()
      "tpu.region"() ({
        %run_scoped3A = tpu.sem_alloc : memref<!tpu.dma_semaphore, #tpu.memory_space<semaphore_mem>>
        %dma_start3A_31 = tpu.memref_slice %arg3[%add3A_20] : memref<320000xi32, #tpu.memory_space<hbm>> -> memref<80xi32, #tpu.memory_space<hbm>>
        %dma_start3A_32 = tpu.memref_slice %arg3[%add3A_20] : memref<320000xi32, #tpu.memory_space<hbm>> -> memref<80xi32, #tpu.memory_space<hbm>>
        tpu.enqueue_dma source(%dma_start3A_32 : memref<80xi32, #tpu.memory_space<hbm>>) target(%arg9 : memref<80xi32, #tpu.memory_space<vmem>>) target_semaphore(%run_scoped3A : memref<!tpu.dma_semaphore, #tpu.memory_space<semaphore_mem>>)
        %dma_wait3A_33 = tpu.memref_slice %arg3[%add3A_20] : memref<320000xi32, #tpu.memory_space<hbm>> -> memref<80xi32, #tpu.memory_space<hbm>>
        %dma_wait3A_34 = tpu.memref_slice %arg3[%add3A_20] : memref<320000xi32, #tpu.memory_space<hbm>> -> memref<80xi32, #tpu.memory_space<hbm>>
        tpu.wait_dma2 semaphore(%run_scoped3A : memref<!tpu.dma_semaphore, #tpu.memory_space<semaphore_mem>>) src(%dma_wait3A_34 : memref<80xi32, #tpu.memory_space<hbm>>) dst(%arg9 : memref<80xi32, #tpu.memory_space<vmem>>)
        tpu.yield
      }) : () -> ()
      "tpu.region"() ({
        %run_scoped3A = tpu.sem_alloc : memref<!tpu.dma_semaphore, #tpu.memory_space<semaphore_mem>>
        %dma_start3A_31 = tpu.memref_slice %arg4[%add3A_20] : memref<320000xf32, #tpu.memory_space<hbm>> -> memref<80xf32, #tpu.memory_space<hbm>>
        %dma_start3A_32 = tpu.memref_slice %arg4[%add3A_20] : memref<320000xf32, #tpu.memory_space<hbm>> -> memref<80xf32, #tpu.memory_space<hbm>>
        tpu.enqueue_dma source(%dma_start3A_32 : memref<80xf32, #tpu.memory_space<hbm>>) target(%arg10 : memref<80xf32, #tpu.memory_space<vmem>>) target_semaphore(%run_scoped3A : memref<!tpu.dma_semaphore, #tpu.memory_space<semaphore_mem>>)
        %dma_wait3A_33 = tpu.memref_slice %arg4[%add3A_20] : memref<320000xf32, #tpu.memory_space<hbm>> -> memref<80xf32, #tpu.memory_space<hbm>>
        %dma_wait3A_34 = tpu.memref_slice %arg4[%add3A_20] : memref<320000xf32, #tpu.memory_space<hbm>> -> memref<80xf32, #tpu.memory_space<hbm>>
        tpu.wait_dma2 semaphore(%run_scoped3A : memref<!tpu.dma_semaphore, #tpu.memory_space<semaphore_mem>>) src(%dma_wait3A_34 : memref<80xf32, #tpu.memory_space<hbm>>) dst(%arg10 : memref<80xf32, #tpu.memory_space<vmem>>)
        tpu.yield
      }) : () -> ()
      %dma_start3A = arith.constant 0 : i32
      %dma_start3A_21 = arith.constant 0 : i32
      %dma_start3A_22 = tpu.memref_slice %arg5[%dma_start3A, %dma_start3A_21] : memref<10240x128xf32, #tpu.memory_space<hbm>> -> memref<10240x128xf32, #tpu.memory_space<hbm>>
      tpu.enqueue_indirect_dma source(%dma_start3A_22 : memref<10240x128xf32, #tpu.memory_space<hbm>>) target(%arg11 : memref<80x128xf32, #tpu.memory_space<vmem>>) offsets(%arg8 : memref<80xi32, #tpu.memory_space<vmem>>) semaphore(%arg13 : memref<!tpu.dma_semaphore, #tpu.memory_space<semaphore_mem>>)
      %dma_wait3A = arith.constant 0 : i32
      %dma_wait3A_23 = arith.constant 0 : i32
      %dma_wait3A_24 = tpu.memref_slice %arg5[%dma_wait3A, %dma_wait3A_23] : memref<10240x128xf32, #tpu.memory_space<hbm>> -> memref<10240x128xf32, #tpu.memory_space<hbm>>
      tpu.wait_indirect_dma semaphore(%arg13 : memref<!tpu.dma_semaphore, #tpu.memory_space<semaphore_mem>>) src(%dma_wait3A_24 : memref<10240x128xf32, #tpu.memory_space<hbm>>) dst(%arg11 : memref<80x128xf32, #tpu.memory_space<vmem>>)
      %scan3A_25 = arith.constant 0 : i32
      %scan3A_26 = arith.constant 0 : i32
      %scan3A_27 = arith.constant 5 : i32
      %scan3A_28 = arith.addi %scan3A_26, %scan3A_27 : i32
      %scan3A_29 = arith.constant 1 : i32
      scf.for %scan3A_31 = %scan3A_26 to %scan3A_28 step %scan3A_29  : i32 {
        %mul3A_32 = arith.constant 16 : i32
        %mul3A_33 = arith.muli %scan3A_31, %mul3A_32 : i32
        %get3A = arith.index_cast %mul3A_33 : i32 to index
        %get3A_34 = tpu.vector_load %arg10[%get3A] {strides = array<i32>} : memref<80xf32, #tpu.memory_space<vmem>>, vector<16xf32>,
        %get3A_35 = vector.shape_cast %get3A_34 : vector<16xf32> to vector<16xf32>
        %broadcast_in_dim3A = arith.constant 0 : i32
        %broadcast_in_dim3A_36 = vector.broadcast %broadcast_in_dim3A : i32 to vector<16x1xi32>
        %gather3A = vector.shape_cast %broadcast_in_dim3A_36 : vector<16x1xi32> to vector<16xi32>
        %gather3A_37 = tpu.dynamic_gather %get3A_35[%gather3A] in [0] : vector<16xf32>, vector<16xi32> -> vector<16xf32>
        %mul3A_38 = arith.constant 16 : i32
        %mul3A_39 = arith.muli %scan3A_31, %mul3A_38 : i32
        %add3A_40 = arith.constant 0 : i32
        %add3A_41 = arith.addi %mul3A_39, %add3A_40 : i32
        %get3A_42 = arith.index_cast %add3A_41 : i32 to index
        %get3A_43 = arith.constant 0 : index
        %get3A_44 = tpu.vector_load %arg11[%get3A_42, %get3A_43] {strides = array<i32>} : memref<80x128xf32, #tpu.memory_space<vmem>>, vector<1x16xf32>,
        %get3A_45 = vector.shape_cast %get3A_44 : vector<1x16xf32> to vector<16xf32>
        %mul3A_46 = arith.mulf %get3A_45, %gather3A_37 : vector<16xf32>
        %swap3A = arith.index_cast %add3A_41 : i32 to index
        %swap3A_47 = arith.constant 0 : index
        %swap3A_48 = tpu.vector_load %arg11[%swap3A, %swap3A_47] {strides = array<i32>} : memref<80x128xf32, #tpu.memory_space<vmem>>, vector<1x16xf32>,
        %swap3A_49 = vector.shape_cast %swap3A_48 : vector<1x16xf32> to vector<16xf32>
        %swap3A_50 = vector.shape_cast %mul3A_46 : vector<16xf32> to vector<1x16xf32>
        tpu.vector_store %arg11[%swap3A, %swap3A_47], %swap3A_50 {strides = array<i32>} : memref<80x128xf32, #tpu.memory_space<vmem>>, vector<1x16xf32>,
        %get3A_51 = arith.index_cast %add3A_41 : i32 to index
        %get3A_52 = arith.constant 16 : index
        %get3A_53 = tpu.vector_load %arg11[%get3A_51, %get3A_52] {strides = array<i32>} : memref<80x128xf32, #tpu.memory_space<vmem>>, vector<1x16xf32>,
        %get3A_54 = vector.shape_cast %get3A_53 : vector<1x16xf32> to vector<16xf32>
        %mul3A_55 = arith.mulf %get3A_54, %gather3A_37 : vector<16xf32>
        %swap3A_56 = arith.index_cast %add3A_41 : i32 to index
        %swap3A_57 = arith.constant 16 : index
        %swap3A_58 = tpu.vector_load %arg11[%swap3A_56, %swap3A_57] {strides = array<i32>} : memref<80x128xf32, #tpu.memory_space<vmem>>, vector<1x16xf32>,
        %swap3A_59 = vector.shape_cast %swap3A_58 : vector<1x16xf32> to vector<16xf32>
        %swap3A_60 = vector.shape_cast %mul3A_55 : vector<16xf32> to vector<1x16xf32>
        tpu.vector_store %arg11[%swap3A_56, %swap3A_57], %swap3A_60 {strides = array<i32>} : memref<80x128xf32, #tpu.memory_space<vmem>>, vector<1x16xf32>,
        %get3A_61 = arith.index_cast %add3A_41 : i32 to index
        %get3A_62 = arith.constant 32 : index
        %get3A_63 = tpu.vector_load %arg11[%get3A_61, %get3A_62] {strides = array<i32>} : memref<80x128xf32, #tpu.memory_space<vmem>>, vector<1x16xf32>,
        %get3A_64 = vector.shape_cast %get3A_63 : vector<1x16xf32> to vector<16xf32>
        %mul3A_65 = arith.mulf %get3A_64, %gather3A_37 : vector<16xf32>
        %swap3A_66 = arith.index_cast %add3A_41 : i32 to index
        %swap3A_67 = arith.constant 32 : index
        %swap3A_68 = tpu.vector_load %arg11[%swap3A_66, %swap3A_67] {strides = array<i32>} : memref<80x128xf32, #tpu.memory_space<vmem>>, vector<1x16xf32>,
        %swap3A_69 = vector.shape_cast %swap3A_68 : vector<1x16xf32> to vector<16xf32>
        %swap3A_70 = vector.shape_cast %mul3A_65 : vector<16xf32> to vector<1x16xf32>
        tpu.vector_store %arg11[%swap3A_66, %swap3A_67], %swap3A_70 {strides = array<i32>} : memref<80x128xf32, #tpu.memory_space<vmem>>, vector<1x16xf32>,
        %get3A_71 = arith.index_cast %add3A_41 : i32 to index
        %get3A_72 = arith.constant 48 : index
        %get3A_73 = tpu.vector_load %arg11[%get3A_71, %get3A_72] {strides = array<i32>} : memref<80x128xf32, #tpu.memory_space<vmem>>, vector<1x16xf32>,
        %get3A_74 = vector.shape_cast %get3A_73 : vector<1x16xf32> to vector<16xf32>
        %mul3A_75 = arith.mulf %get3A_74, %gather3A_37 : vector<16xf32>
        %swap3A_76 = arith.index_cast %add3A_41 : i32 to index
        %swap3A_77 = arith.constant 48 : index
        %swap3A_78 = tpu.vector_load %arg11[%swap3A_76, %swap3A_77] {strides = array<i32>} : memref<80x128xf32, #tpu.memory_space<vmem>>, vector<1x16xf32>,
        %swap3A_79 = vector.shape_cast %swap3A_78 : vector<1x16xf32> to vector<16xf32>
        %swap3A_80 = vector.shape_cast %mul3A_75 : vector<16xf32> to vector<1x16xf32>
        tpu.vector_store %arg11[%swap3A_76, %swap3A_77], %swap3A_80 {strides = array<i32>} : memref<80x128xf32, #tpu.memory_space<vmem>>, vector<1x16xf32>,
        %get3A_81 = arith.index_cast %add3A_41 : i32 to index
        %get3A_82 = arith.constant 64 : index
        %get3A_83 = tpu.vector_load %arg11[%get3A_81, %get3A_82] {strides = array<i32>} : memref<80x128xf32, #tpu.memory_space<vmem>>, vector<1x16xf32>,
        %get3A_84 = vector.shape_cast %get3A_83 : vector<1x16xf32> to vector<16xf32>
        %mul3A_85 = arith.mulf %get3A_84, %gather3A_37 : vector<16xf32>
        %swap3A_86 = arith.index_cast %add3A_41 : i32 to index
        %swap3A_87 = arith.constant 64 : index
        %swap3A_88 = tpu.vector_load %arg11[%swap3A_86, %swap3A_87] {strides = array<i32>} : memref<80x128xf32, #tpu.memory_space<vmem>>, vector<1x16xf32>,
        %swap3A_89 = vector.shape_cast %swap3A_88 : vector<1x16xf32> to vector<16xf32>
        %swap3A_90 = vector.shape_cast %mul3A_85 : vector<16xf32> to vector<1x16xf32>
        tpu.vector_store %arg11[%swap3A_86, %swap3A_87], %swap3A_90 {strides = array<i32>} : memref<80x128xf32, #tpu.memory_space<vmem>>, vector<1x16xf32>,
        %get3A_91 = arith.index_cast %add3A_41 : i32 to index
        %get3A_92 = arith.constant 80 : index
        %get3A_93 = tpu.vector_load %arg11[%get3A_91, %get3A_92] {strides = array<i32>} : memref<80x128xf32, #tpu.memory_space<vmem>>, vector<1x16xf32>,
        %get3A_94 = vector.shape_cast %get3A_93 : vector<1x16xf32> to vector<16xf32>
        %mul3A_95 = arith.mulf %get3A_94, %gather3A_37 : vector<16xf32>
        %swap3A_96 = arith.index_cast %add3A_41 : i32 to index
        %swap3A_97 = arith.constant 80 : index
        %swap3A_98 = tpu.vector_load %arg11[%swap3A_96, %swap3A_97] {strides = array<i32>} : memref<80x128xf32, #tpu.memory_space<vmem>>, vector<1x16xf32>,
        %swap3A_99 = vector.shape_cast %swap3A_98 : vector<1x16xf32> to vector<16xf32>
        %swap3A_100 = vector.shape_cast %mul3A_95 : vector<16xf32> to vector<1x16xf32>
        tpu.vector_store %arg11[%swap3A_96, %swap3A_97], %swap3A_100 {strides = array<i32>} : memref<80x128xf32, #tpu.memory_space<vmem>>, vector<1x16xf32>,
        %get3A_101 = arith.index_cast %add3A_41 : i32 to index
        %get3A_102 = arith.constant 96 : index
        %get3A_103 = tpu.vector_load %arg11[%get3A_101, %get3A_102] {strides = array<i32>} : memref<80x128xf32, #tpu.memory_space<vmem>>, vector<1x16xf32>,
        %get3A_104 = vector.shape_cast %get3A_103 : vector<1x16xf32> to vector<16xf32>
        %mul3A_105 = arith.mulf %get3A_104, %gather3A_37 : vector<16xf32>
        %swap3A_106 = arith.index_cast %add3A_41 : i32 to index
        %swap3A_107 = arith.constant 96 : index
        %swap3A_108 = tpu.vector_load %arg11[%swap3A_106, %swap3A_107] {strides = array<i32>} : memref<80x128xf32, #tpu.memory_space<vmem>>, vector<1x16xf32>,
        %swap3A_109 = vector.shape_cast %swap3A_108 : vector<1x16xf32> to vector<16xf32>
        %swap3A_110 = vector.shape_cast %mul3A_105 : vector<16xf32> to vector<1x16xf32>
        tpu.vector_store %arg11[%swap3A_106, %swap3A_107], %swap3A_110 {strides = array<i32>} : memref<80x128xf32, #tpu.memory_space<vmem>>, vector<1x16xf32>,
        %get3A_111 = arith.index_cast %add3A_41 : i32 to index
        %get3A_112 = arith.constant 112 : index
        %get3A_113 = tpu.vector_load %arg11[%get3A_111, %get3A_112] {strides = array<i32>} : memref<80x128xf32, #tpu.memory_space<vmem>>, vector<1x16xf32>,
        %get3A_114 = vector.shape_cast %get3A_113 : vector<1x16xf32> to vector<16xf32>
        %mul3A_115 = arith.mulf %get3A_114, %gather3A_37 : vector<16xf32>
        %swap3A_116 = arith.index_cast %add3A_41 : i32 to index
        %swap3A_117 = arith.constant 112 : index
        %swap3A_118 = tpu.vector_load %arg11[%swap3A_116, %swap3A_117] {strides = array<i32>} : memref<80x128xf32, #tpu.memory_space<vmem>>, vector<1x16xf32>,
        %swap3A_119 = vector.shape_cast %swap3A_118 : vector<1x16xf32> to vector<16xf32>
        %swap3A_120 = vector.shape_cast %mul3A_115 : vector<16xf32> to vector<1x16xf32>
        tpu.vector_store %arg11[%swap3A_116, %swap3A_117], %swap3A_120 {strides = array<i32>} : memref<80x128xf32, #tpu.memory_space<vmem>>, vector<1x16xf32>,
        %broadcast_in_dim3A_121 = arith.constant 1 : i32
        %broadcast_in_dim3A_122 = vector.broadcast %broadcast_in_dim3A_121 : i32 to vector<16x1xi32>
        %gather3A_123 = vector.shape_cast %broadcast_in_dim3A_122 : vector<16x1xi32> to vector<16xi32>
        %gather3A_124 = tpu.dynamic_gather %get3A_35[%gather3A_123] in [0] : vector<16xf32>, vector<16xi32> -> vector<16xf32>
        %mul3A_125 = arith.constant 16 : i32
        %mul3A_126 = arith.muli %scan3A_31, %mul3A_125 : i32
        %add3A_127 = arith.constant 1 : i32
        %add3A_128 = arith.addi %mul3A_126, %add3A_127 : i32
        %get3A_129 = arith.index_cast %add3A_128 : i32 to index
        %get3A_130 = arith.constant 0 : index
        %get3A_131 = tpu.vector_load %arg11[%get3A_129, %get3A_130] {strides = array<i32>} : memref<80x128xf32, #tpu.memory_space<vmem>>, vector<1x16xf32>,
        %get3A_132 = vector.shape_cast %get3A_131 : vector<1x16xf32> to vector<16xf32>
        %mul3A_133 = arith.mulf %get3A_132, %gather3A_124 : vector<16xf32>
        %swap3A_134 = arith.index_cast %add3A_128 : i32 to index
        %swap3A_135 = arith.constant 0 : index
        %swap3A_136 = tpu.vector_load %arg11[%swap3A_134, %swap3A_135] {strides = array<i32>} : memref<80x128xf32, #tpu.memory_space<vmem>>, vector<1x16xf32>,
        %swap3A_137 = vector.shape_cast %swap3A_136 : vector<1x16xf32> to vector<16xf32>
        %swap3A_138 = vector.shape_cast %mul3A_133 : vector<16xf32> to vector<1x16xf32>
        tpu.vector_store %arg11[%swap3A_134, %swap3A_135], %swap3A_138 {strides = array<i32>} : memref<80x128xf32, #tpu.memory_space<vmem>>, vector<1x16xf32>,
        %get3A_139 = arith.index_cast %add3A_128 : i32 to index
        %get3A_140 = arith.constant 16 : index
        %get3A_141 = tpu.vector_load %arg11[%get3A_139, %get3A_140] {strides = array<i32>} : memref<80x128xf32, #tpu.memory_space<vmem>>, vector<1x16xf32>,
        %get3A_142 = vector.shape_cast %get3A_141 : vector<1x16xf32> to vector<16xf32>
        %mul3A_143 = arith.mulf %get3A_142, %gather3A_124 : vector<16xf32>
        %swap3A_144 = arith.index_cast %add3A_128 : i32 to index
        %swap3A_145 = arith.constant 16 : index
        %swap3A_146 = tpu.vector_load %arg11[%swap3A_144, %swap3A_145] {strides = array<i32>} : memref<80x128xf32, #tpu.memory_space<vmem>>, vector<1x16xf32>,
        %swap3A_147 = vector.shape_cast %swap3A_146 : vector<1x16xf32> to vector<16xf32>
        %swap3A_148 = vector.shape_cast %mul3A_143 : vector<16xf32> to vector<1x16xf32>
        tpu.vector_store %arg11[%swap3A_144, %swap3A_145], %swap3A_148 {strides = array<i32>} : memref<80x128xf32, #tpu.memory_space<vmem>>, vector<1x16xf32>,
        %get3A_149 = arith.index_cast %add3A_128 : i32 to index
        %get3A_150 = arith.constant 32 : index
        %get3A_151 = tpu.vector_load %arg11[%get3A_149, %get3A_150] {strides = array<i32>} : memref<80x128xf32, #tpu.memory_space<vmem>>, vector<1x16xf32>,
        %get3A_152 = vector.shape_cast %get3A_151 : vector<1x16xf32> to vector<16xf32>
        %mul3A_153 = arith.mulf %get3A_152, %gather3A_124 : vector<16xf32>
        %swap3A_154 = arith.index_cast %add3A_128 : i32 to index
        %swap3A_155 = arith.constant 32 : index
        %swap3A_156 = tpu.vector_load %arg11[%swap3A_154, %swap3A_155] {strides = array<i32>} : memref<80x128xf32, #tpu.memory_space<vmem>>, vector<1x16xf32>,
        %swap3A_157 = vector.shape_cast %swap3A_156 : vector<1x16xf32> to vector<16xf32>
        %swap3A_158 = vector.shape_cast %mul3A_153 : vector<16xf32> to vector<1x16xf32>
        tpu.vector_store %arg11[%swap3A_154, %swap3A_155], %swap3A_158 {strides = array<i32>} : memref<80x128xf32, #tpu.memory_space<vmem>>, vector<1x16xf32>,
        %get3A_159 = arith.index_cast %add3A_128 : i32 to index
        %get3A_160 = arith.constant 48 : index
        %get3A_161 = tpu.vector_load %arg11[%get3A_159, %get3A_160] {strides = array<i32>} : memref<80x128xf32, #tpu.memory_space<vmem>>, vector<1x16xf32>,
        %get3A_162 = vector.shape_cast %get3A_161 : vector<1x16xf32> to vector<16xf32>
        %mul3A_163 = arith.mulf %get3A_162, %gather3A_124 : vector<16xf32>
        %swap3A_164 = arith.index_cast %add3A_128 : i32 to index
        %swap3A_165 = arith.constant 48 : index
        %swap3A_166 = tpu.vector_load %arg11[%swap3A_164, %swap3A_165] {strides = array<i32>} : memref<80x128xf32, #tpu.memory_space<vmem>>, vector<1x16xf32>,
        %swap3A_167 = vector.shape_cast %swap3A_166 : vector<1x16xf32> to vector<16xf32>
        %swap3A_168 = vector.shape_cast %mul3A_163 : vector<16xf32> to vector<1x16xf32>
        tpu.vector_store %arg11[%swap3A_164, %swap3A_165], %swap3A_168 {strides = array<i32>} : memref<80x128xf32, #tpu.memory_space<vmem>>, vector<1x16xf32>,
        %get3A_169 = arith.index_cast %add3A_128 : i32 to index
        %get3A_170 = arith.constant 64 : index
        %get3A_171 = tpu.vector_load %arg11[%get3A_169, %get3A_170] {strides = array<i32>} : memref<80x128xf32, #tpu.memory_space<vmem>>, vector<1x16xf32>,
        %get3A_172 = vector.shape_cast %get3A_171 : vector<1x16xf32> to vector<16xf32>
        %mul3A_173 = arith.mulf %get3A_172, %gather3A_124 : vector<16xf32>
        %swap3A_174 = arith.index_cast %add3A_128 : i32 to index
        %swap3A_175 = arith.constant 64 : index
        %swap3A_176 = tpu.vector_load %arg11[%swap3A_174, %swap3A_175] {strides = array<i32>} : memref<80x128xf32, #tpu.memory_space<vmem>>, vector<1x16xf32>,
        %swap3A_177 = vector.shape_cast %swap3A_176 : vector<1x16xf32> to vector<16xf32>
        %swap3A_178 = vector.shape_cast %mul3A_173 : vector<16xf32> to vector<1x16xf32>
        tpu.vector_store %arg11[%swap3A_174, %swap3A_175], %swap3A_178 {strides = array<i32>} : memref<80x128xf32, #tpu.memory_space<vmem>>, vector<1x16xf32>,
        %get3A_179 = arith.index_cast %add3A_128 : i32 to index
        %get3A_180 = arith.constant 80 : index
        %get3A_181 = tpu.vector_load %arg11[%get3A_179, %get3A_180] {strides = array<i32>} : memref<80x128xf32, #tpu.memory_space<vmem>>, vector<1x16xf32>,
        %get3A_182 = vector.shape_cast %get3A_181 : vector<1x16xf32> to vector<16xf32>
        %mul3A_183 = arith.mulf %get3A_182, %gather3A_124 : vector<16xf32>
        %swap3A_184 = arith.index_cast %add3A_128 : i32 to index
        %swap3A_185 = arith.constant 80 : index
        %swap3A_186 = tpu.vector_load %arg11[%swap3A_184, %swap3A_185] {strides = array<i32>} : memref<80x128xf32, #tpu.memory_space<vmem>>, vector<1x16xf32>,
        %swap3A_187 = vector.shape_cast %swap3A_186 : vector<1x16xf32> to vector<16xf32>
        %swap3A_188 = vector.shape_cast %mul3A_183 : vector<16xf32> to vector<1x16xf32>
        tpu.vector_store %arg11[%swap3A_184, %swap3A_185], %swap3A_188 {strides = array<i32>} : memref<80x128xf32, #tpu.memory_space<vmem>>, vector<1x16xf32>,
        %get3A_189 = arith.index_cast %add3A_128 : i32 to index
        %get3A_190 = arith.constant 96 : index
        %get3A_191 = tpu.vector_load %arg11[%get3A_189, %get3A_190] {strides = array<i32>} : memref<80x128xf32, #tpu.memory_space<vmem>>, vector<1x16xf32>,
        %get3A_192 = vector.shape_cast %get3A_191 : vector<1x16xf32> to vector<16xf32>
        %mul3A_193 = arith.mulf %get3A_192, %gather3A_124 : vector<16xf32>
        %swap3A_194 = arith.index_cast %add3A_128 : i32 to index
        %swap3A_195 = arith.constant 96 : index
        %swap3A_196 = tpu.vector_load %arg11[%swap3A_194, %swap3A_195] {strides = array<i32>} : memref<80x128xf32, #tpu.memory_space<vmem>>, vector<1x16xf32>,
        %swap3A_197 = vector.shape_cast %swap3A_196 : vector<1x16xf32> to vector<16xf32>
        %swap3A_198 = vector.shape_cast %mul3A_193 : vector<16xf32> to vector<1x16xf32>
        tpu.vector_store %arg11[%swap3A_194, %swap3A_195], %swap3A_198 {strides = array<i32>} : memref<80x128xf32, #tpu.memory_space<vmem>>, vector<1x16xf32>,
        %get3A_199 = arith.index_cast %add3A_128 : i32 to index
        %get3A_200 = arith.constant 112 : index
        %get3A_201 = tpu.vector_load %arg11[%get3A_199, %get3A_200] {strides = array<i32>} : memref<80x128xf32, #tpu.memory_space<vmem>>, vector<1x16xf32>,
        %get3A_202 = vector.shape_cast %get3A_201 : vector<1x16xf32> to vector<16xf32>
        %mul3A_203 = arith.mulf %get3A_202, %gather3A_124 : vector<16xf32>
        %swap3A_204 = arith.index_cast %add3A_128 : i32 to index
        %swap3A_205 = arith.constant 112 : index
        %swap3A_206 = tpu.vector_load %arg11[%swap3A_204, %swap3A_205] {strides = array<i32>} : memref<80x128xf32, #tpu.memory_space<vmem>>, vector<1x16xf32>,
        %swap3A_207 = vector.shape_cast %swap3A_206 : vector<1x16xf32> to vector<16xf32>
        %swap3A_208 = vector.shape_cast %mul3A_203 : vector<16xf32> to vector<1x16xf32>
        tpu.vector_store %arg11[%swap3A_204, %swap3A_205], %swap3A_208 {strides = array<i32>} : memref<80x128xf32, #tpu.memory_space<vmem>>, vector<1x16xf32>,
        %broadcast_in_dim3A_209 = arith.constant 2 : i32
        %broadcast_in_dim3A_210 = vector.broadcast %broadcast_in_dim3A_209 : i32 to vector<16x1xi32>
        %gather3A_211 = vector.shape_cast %broadcast_in_dim3A_210 : vector<16x1xi32> to vector<16xi32>
        %gather3A_212 = tpu.dynamic_gather %get3A_35[%gather3A_211] in [0] : vector<16xf32>, vector<16xi32> -> vector<16xf32>
        %mul3A_213 = arith.constant 16 : i32
        %mul3A_214 = arith.muli %scan3A_31, %mul3A_213 : i32
        %add3A_215 = arith.constant 2 : i32
        %add3A_216 = arith.addi %mul3A_214, %add3A_215 : i32
        %get3A_217 = arith.index_cast %add3A_216 : i32 to index
        %get3A_218 = arith.constant 0 : index
        %get3A_219 = tpu.vector_load %arg11[%get3A_217, %get3A_218] {strides = array<i32>} : memref<80x128xf32, #tpu.memory_space<vmem>>, vector<1x16xf32>,
        %get3A_220 = vector.shape_cast %get3A_219 : vector<1x16xf32> to vector<16xf32>
        %mul3A_221 = arith.mulf %get3A_220, %gather3A_212 : vector<16xf32>
        %swap3A_222 = arith.index_cast %add3A_216 : i32 to index
        %swap3A_223 = arith.constant 0 : index
        %swap3A_224 = tpu.vector_load %arg11[%swap3A_222, %swap3A_223] {strides = array<i32>} : memref<80x128xf32, #tpu.memory_space<vmem>>, vector<1x16xf32>,
        %swap3A_225 = vector.shape_cast %swap3A_224 : vector<1x16xf32> to vector<16xf32>
        %swap3A_226 = vector.shape_cast %mul3A_221 : vector<16xf32> to vector<1x16xf32>
        tpu.vector_store %arg11[%swap3A_222, %swap3A_223], %swap3A_226 {strides = array<i32>} : memref<80x128xf32, #tpu.memory_space<vmem>>, vector<1x16xf32>,
        %get3A_227 = arith.index_cast %add3A_216 : i32 to index
        %get3A_228 = arith.constant 16 : index
        %get3A_229 = tpu.vector_load %arg11[%get3A_227, %get3A_228] {strides = array<i32>} : memref<80x128xf32, #tpu.memory_space<vmem>>, vector<1x16xf32>,
        %get3A_230 = vector.shape_cast %get3A_229 : vector<1x16xf32> to vector<16xf32>
        %mul3A_231 = arith.mulf %get3A_230, %gather3A_212 : vector<16xf32>
        %swap3A_232 = arith.index_cast %add3A_216 : i32 to index
        %swap3A_233 = arith.constant 16 : index
        %swap3A_234 = tpu.vector_load %arg11[%swap3A_232, %swap3A_233] {strides = array<i32>} : memref<80x128xf32, #tpu.memory_space<vmem>>, vector<1x16xf32>,
        %swap3A_235 = vector.shape_cast %swap3A_234 : vector<1x16xf32> to vector<16xf32>
        %swap3A_236 = vector.shape_cast %mul3A_231 : vector<16xf32> to vector<1x16xf32>
        tpu.vector_store %arg11[%swap3A_232, %swap3A_233], %swap3A_236 {strides = array<i32>} : memref<80x128xf32, #tpu.memory_space<vmem>>, vector<1x16xf32>,
        %get3A_237 = arith.index_cast %add3A_216 : i32 to index
        %get3A_238 = arith.constant 32 : index
        %get3A_239 = tpu.vector_load %arg11[%get3A_237, %get3A_238] {strides = array<i32>} : memref<80x128xf32, #tpu.memory_space<vmem>>, vector<1x16xf32>,
        %get3A_240 = vector.shape_cast %get3A_239 : vector<1x16xf32> to vector<16xf32>
        %mul3A_241 = arith.mulf %get3A_240, %gather3A_212 : vector<16xf32>
        %swap3A_242 = arith.index_cast %add3A_216 : i32 to index
        %swap3A_243 = arith.constant 32 : index
        %swap3A_244 = tpu.vector_load %arg11[%swap3A_242, %swap3A_243] {strides = array<i32>} : memref<80x128xf32, #tpu.memory_space<vmem>>, vector<1x16xf32>,
        %swap3A_245 = vector.shape_cast %swap3A_244 : vector<1x16xf32> to vector<16xf32>
        %swap3A_246 = vector.shape_cast %mul3A_241 : vector<16xf32> to vector<1x16xf32>
        tpu.vector_store %arg11[%swap3A_242, %swap3A_243], %swap3A_246 {strides = array<i32>} : memref<80x128xf32, #tpu.memory_space<vmem>>, vector<1x16xf32>,
        %get3A_247 = arith.index_cast %add3A_216 : i32 to index
        %get3A_248 = arith.constant 48 : index
        %get3A_249 = tpu.vector_load %arg11[%get3A_247, %get3A_248] {strides = array<i32>} : memref<80x128xf32, #tpu.memory_space<vmem>>, vector<1x16xf32>,
        %get3A_250 = vector.shape_cast %get3A_249 : vector<1x16xf32> to vector<16xf32>
        %mul3A_251 = arith.mulf %get3A_250, %gather3A_212 : vector<16xf32>
        %swap3A_252 = arith.index_cast %add3A_216 : i32 to index
        %swap3A_253 = arith.constant 48 : index
        %swap3A_254 = tpu.vector_load %arg11[%swap3A_252, %swap3A_253] {strides = array<i32>} : memref<80x128xf32, #tpu.memory_space<vmem>>, vector<1x16xf32>,
        %swap3A_255 = vector.shape_cast %swap3A_254 : vector<1x16xf32> to vector<16xf32>
        %swap3A_256 = vector.shape_cast %mul3A_251 : vector<16xf32> to vector<1x16xf32>
        tpu.vector_store %arg11[%swap3A_252, %swap3A_253], %swap3A_256 {strides = array<i32>} : memref<80x128xf32, #tpu.memory_space<vmem>>, vector<1x16xf32>,
        %get3A_257 = arith.index_cast %add3A_216 : i32 to index
        %get3A_258 = arith.constant 64 : index
        %get3A_259 = tpu.vector_load %arg11[%get3A_257, %get3A_258] {strides = array<i32>} : memref<80x128xf32, #tpu.memory_space<vmem>>, vector<1x16xf32>,
        %get3A_260 = vector.shape_cast %get3A_259 : vector<1x16xf32> to vector<16xf32>
        %mul3A_261 = arith.mulf %get3A_260, %gather3A_212 : vector<16xf32>
        %swap3A_262 = arith.index_cast %add3A_216 : i32 to index
        %swap3A_263 = arith.constant 64 : index
        %swap3A_264 = tpu.vector_load %arg11[%swap3A_262, %swap3A_263] {strides = array<i32>} : memref<80x128xf32, #tpu.memory_space<vmem>>, vector<1x16xf32>,
        %swap3A_265 = vector.shape_cast %swap3A_264 : vector<1x16xf32> to vector<16xf32>
        %swap3A_266 = vector.shape_cast %mul3A_261 : vector<16xf32> to vector<1x16xf32>
        tpu.vector_store %arg11[%swap3A_262, %swap3A_263], %swap3A_266 {strides = array<i32>} : memref<80x128xf32, #tpu.memory_space<vmem>>, vector<1x16xf32>,
        %get3A_267 = arith.index_cast %add3A_216 : i32 to index
        %get3A_268 = arith.constant 80 : index
        %get3A_269 = tpu.vector_load %arg11[%get3A_267, %get3A_268] {strides = array<i32>} : memref<80x128xf32, #tpu.memory_space<vmem>>, vector<1x16xf32>,
        %get3A_270 = vector.shape_cast %get3A_269 : vector<1x16xf32> to vector<16xf32>
        %mul3A_271 = arith.mulf %get3A_270, %gather3A_212 : vector<16xf32>
        %swap3A_272 = arith.index_cast %add3A_216 : i32 to index
        %swap3A_273 = arith.constant 80 : index
        %swap3A_274 = tpu.vector_load %arg11[%swap3A_272, %swap3A_273] {strides = array<i32>} : memref<80x128xf32, #tpu.memory_space<vmem>>, vector<1x16xf32>,
        %swap3A_275 = vector.shape_cast %swap3A_274 : vector<1x16xf32> to vector<16xf32>
        %swap3A_276 = vector.shape_cast %mul3A_271 : vector<16xf32> to vector<1x16xf32>
        tpu.vector_store %arg11[%swap3A_272, %swap3A_273], %swap3A_276 {strides = array<i32>} : memref<80x128xf32, #tpu.memory_space<vmem>>, vector<1x16xf32>,
        %get3A_277 = arith.index_cast %add3A_216 : i32 to index
        %get3A_278 = arith.constant 96 : index
        %get3A_279 = tpu.vector_load %arg11[%get3A_277, %get3A_278] {strides = array<i32>} : memref<80x128xf32, #tpu.memory_space<vmem>>, vector<1x16xf32>,
        %get3A_280 = vector.shape_cast %get3A_279 : vector<1x16xf32> to vector<16xf32>
        %mul3A_281 = arith.mulf %get3A_280, %gather3A_212 : vector<16xf32>
        %swap3A_282 = arith.index_cast %add3A_216 : i32 to index
        %swap3A_283 = arith.constant 96 : index
        %swap3A_284 = tpu.vector_load %arg11[%swap3A_282, %swap3A_283] {strides = array<i32>} : memref<80x128xf32, #tpu.memory_space<vmem>>, vector<1x16xf32>,
        %swap3A_285 = vector.shape_cast %swap3A_284 : vector<1x16xf32> to vector<16xf32>
        %swap3A_286 = vector.shape_cast %mul3A_281 : vector<16xf32> to vector<1x16xf32>
        tpu.vector_store %arg11[%swap3A_282, %swap3A_283], %swap3A_286 {strides = array<i32>} : memref<80x128xf32, #tpu.memory_space<vmem>>, vector<1x16xf32>,
        %get3A_287 = arith.index_cast %add3A_216 : i32 to index
        %get3A_288 = arith.constant 112 : index
        %get3A_289 = tpu.vector_load %arg11[%get3A_287, %get3A_288] {strides = array<i32>} : memref<80x128xf32, #tpu.memory_space<vmem>>, vector<1x16xf32>,
        %get3A_290 = vector.shape_cast %get3A_289 : vector<1x16xf32> to vector<16xf32>
        %mul3A_291 = arith.mulf %get3A_290, %gather3A_212 : vector<16xf32>
        %swap3A_292 = arith.index_cast %add3A_216 : i32 to index
        %swap3A_293 = arith.constant 112 : index
        %swap3A_294 = tpu.vector_load %arg11[%swap3A_292, %swap3A_293] {strides = array<i32>} : memref<80x128xf32, #tpu.memory_space<vmem>>, vector<1x16xf32>,
        %swap3A_295 = vector.shape_cast %swap3A_294 : vector<1x16xf32> to vector<16xf32>
        %swap3A_296 = vector.shape_cast %mul3A_291 : vector<16xf32> to vector<1x16xf32>
        tpu.vector_store %arg11[%swap3A_292, %swap3A_293], %swap3A_296 {strides = array<i32>} : memref<80x128xf32, #tpu.memory_space<vmem>>, vector<1x16xf32>,
        %broadcast_in_dim3A_297 = arith.constant 3 : i32
        %broadcast_in_dim3A_298 = vector.broadcast %broadcast_in_dim3A_297 : i32 to vector<16x1xi32>
        %gather3A_299 = vector.shape_cast %broadcast_in_dim3A_298 : vector<16x1xi32> to vector<16xi32>
        %gather3A_300 = tpu.dynamic_gather %get3A_35[%gather3A_299] in [0] : vector<16xf32>, vector<16xi32> -> vector<16xf32>
        %mul3A_301 = arith.constant 16 : i32
        %mul3A_302 = arith.muli %scan3A_31, %mul3A_301 : i32
        %add3A_303 = arith.constant 3 : i32
        %add3A_304 = arith.addi %mul3A_302, %add3A_303 : i32
        %get3A_305 = arith.index_cast %add3A_304 : i32 to index
        %get3A_306 = arith.constant 0 : index
        %get3A_307 = tpu.vector_load %arg11[%get3A_305, %get3A_306] {strides = array<i32>} : memref<80x128xf32, #tpu.memory_space<vmem>>, vector<1x16xf32>,
        %get3A_308 = vector.shape_cast %get3A_307 : vector<1x16xf32> to vector<16xf32>
        %mul3A_309 = arith.mulf %get3A_308, %gather3A_300 : vector<16xf32>
        %swap3A_310 = arith.index_cast %add3A_304 : i32 to index
        %swap3A_311 = arith.constant 0 : index
        %swap3A_312 = tpu.vector_load %arg11[%swap3A_310, %swap3A_311] {strides = array<i32>} : memref<80x128xf32, #tpu.memory_space<vmem>>, vector<1x16xf32>,
        %swap3A_313 = vector.shape_cast %swap3A_312 : vector<1x16xf32> to vector<16xf32>
        %swap3A_314 = vector.shape_cast %mul3A_309 : vector<16xf32> to vector<1x16xf32>
        tpu.vector_store %arg11[%swap3A_310, %swap3A_311], %swap3A_314 {strides = array<i32>} : memref<80x128xf32, #tpu.memory_space<vmem>>, vector<1x16xf32>,
        %get3A_315 = arith.index_cast %add3A_304 : i32 to index
        %get3A_316 = arith.constant 16 : index
        %get3A_317 = tpu.vector_load %arg11[%get3A_315, %get3A_316] {strides = array<i32>} : memref<80x128xf32, #tpu.memory_space<vmem>>, vector<1x16xf32>,
        %get3A_318 = vector.shape_cast %get3A_317 : vector<1x16xf32> to vector<16xf32>
        %mul3A_319 = arith.mulf %get3A_318, %gather3A_300 : vector<16xf32>
        %swap3A_320 = arith.index_cast %add3A_304 : i32 to index
        %swap3A_321 = arith.constant 16 : index
        %swap3A_322 = tpu.vector_load %arg11[%swap3A_320, %swap3A_321] {strides = array<i32>} : memref<80x128xf32, #tpu.memory_space<vmem>>, vector<1x16xf32>,
        %swap3A_323 = vector.shape_cast %swap3A_322 : vector<1x16xf32> to vector<16xf32>
        %swap3A_324 = vector.shape_cast %mul3A_319 : vector<16xf32> to vector<1x16xf32>
        tpu.vector_store %arg11[%swap3A_320, %swap3A_321], %swap3A_324 {strides = array<i32>} : memref<80x128xf32, #tpu.memory_space<vmem>>, vector<1x16xf32>,
        %get3A_325 = arith.index_cast %add3A_304 : i32 to index
        %get3A_326 = arith.constant 32 : index
        %get3A_327 = tpu.vector_load %arg11[%get3A_325, %get3A_326] {strides = array<i32>} : memref<80x128xf32, #tpu.memory_space<vmem>>, vector<1x16xf32>,
        %get3A_328 = vector.shape_cast %get3A_327 : vector<1x16xf32> to vector<16xf32>
        %mul3A_329 = arith.mulf %get3A_328, %gather3A_300 : vector<16xf32>
        %swap3A_330 = arith.index_cast %add3A_304 : i32 to index
        %swap3A_331 = arith.constant 32 : index
        %swap3A_332 = tpu.vector_load %arg11[%swap3A_330, %swap3A_331] {strides = array<i32>} : memref<80x128xf32, #tpu.memory_space<vmem>>, vector<1x16xf32>,
        %swap3A_333 = vector.shape_cast %swap3A_332 : vector<1x16xf32> to vector<16xf32>
        %swap3A_334 = vector.shape_cast %mul3A_329 : vector<16xf32> to vector<1x16xf32>
        tpu.vector_store %arg11[%swap3A_330, %swap3A_331], %swap3A_334 {strides = array<i32>} : memref<80x128xf32, #tpu.memory_space<vmem>>, vector<1x16xf32>,
        %get3A_335 = arith.index_cast %add3A_304 : i32 to index
        %get3A_336 = arith.constant 48 : index
        %get3A_337 = tpu.vector_load %arg11[%get3A_335, %get3A_336] {strides = array<i32>} : memref<80x128xf32, #tpu.memory_space<vmem>>, vector<1x16xf32>,
        %get3A_338 = vector.shape_cast %get3A_337 : vector<1x16xf32> to vector<16xf32>
        %mul3A_339 = arith.mulf %get3A_338, %gather3A_300 : vector<16xf32>
        %swap3A_340 = arith.index_cast %add3A_304 : i32 to index
        %swap3A_341 = arith.constant 48 : index
        %swap3A_342 = tpu.vector_load %arg11[%swap3A_340, %swap3A_341] {strides = array<i32>} : memref<80x128xf32, #tpu.memory_space<vmem>>, vector<1x16xf32>,
        %swap3A_343 = vector.shape_cast %swap3A_342 : vector<1x16xf32> to vector<16xf32>
        %swap3A_344 = vector.shape_cast %mul3A_339 : vector<16xf32> to vector<1x16xf32>
        tpu.vector_store %arg11[%swap3A_340, %swap3A_341], %swap3A_344 {strides = array<i32>} : memref<80x128xf32, #tpu.memory_space<vmem>>, vector<1x16xf32>,
        %get3A_345 = arith.index_cast %add3A_304 : i32 to index
        %get3A_346 = arith.constant 64 : index
        %get3A_347 = tpu.vector_load %arg11[%get3A_345, %get3A_346] {strides = array<i32>} : memref<80x128xf32, #tpu.memory_space<vmem>>, vector<1x16xf32>,
        %get3A_348 = vector.shape_cast %get3A_347 : vector<1x16xf32> to vector<16xf32>
        %mul3A_349 = arith.mulf %get3A_348, %gather3A_300 : vector<16xf32>
        %swap3A_350 = arith.index_cast %add3A_304 : i32 to index
        %swap3A_351 = arith.constant 64 : index
        %swap3A_352 = tpu.vector_load %arg11[%swap3A_350, %swap3A_351] {strides = array<i32>} : memref<80x128xf32, #tpu.memory_space<vmem>>, vector<1x16xf32>,
        %swap3A_353 = vector.shape_cast %swap3A_352 : vector<1x16xf32> to vector<16xf32>
        %swap3A_354 = vector.shape_cast %mul3A_349 : vector<16xf32> to vector<1x16xf32>
        tpu.vector_store %arg11[%swap3A_350, %swap3A_351], %swap3A_354 {strides = array<i32>} : memref<80x128xf32, #tpu.memory_space<vmem>>, vector<1x16xf32>,
        %get3A_355 = arith.index_cast %add3A_304 : i32 to index
        %get3A_356 = arith.constant 80 : index
        %get3A_357 = tpu.vector_load %arg11[%get3A_355, %get3A_356] {strides = array<i32>} : memref<80x128xf32, #tpu.memory_space<vmem>>, vector<1x16xf32>,
        %get3A_358 = vector.shape_cast %get3A_357 : vector<1x16xf32> to vector<16xf32>
        %mul3A_359 = arith.mulf %get3A_358, %gather3A_300 : vector<16xf32>
        %swap3A_360 = arith.index_cast %add3A_304 : i32 to index
        %swap3A_361 = arith.constant 80 : index
        %swap3A_362 = tpu.vector_load %arg11[%swap3A_360, %swap3A_361] {strides = array<i32>} : memref<80x128xf32, #tpu.memory_space<vmem>>, vector<1x16xf32>,
        %swap3A_363 = vector.shape_cast %swap3A_362 : vector<1x16xf32> to vector<16xf32>
        %swap3A_364 = vector.shape_cast %mul3A_359 : vector<16xf32> to vector<1x16xf32>
        tpu.vector_store %arg11[%swap3A_360, %swap3A_361], %swap3A_364 {strides = array<i32>} : memref<80x128xf32, #tpu.memory_space<vmem>>, vector<1x16xf32>,
        %get3A_365 = arith.index_cast %add3A_304 : i32 to index
        %get3A_366 = arith.constant 96 : index
        %get3A_367 = tpu.vector_load %arg11[%get3A_365, %get3A_366] {strides = array<i32>} : memref<80x128xf32, #tpu.memory_space<vmem>>, vector<1x16xf32>,
        %get3A_368 = vector.shape_cast %get3A_367 : vector<1x16xf32> to vector<16xf32>
        %mul3A_369 = arith.mulf %get3A_368, %gather3A_300 : vector<16xf32>
        %swap3A_370 = arith.index_cast %add3A_304 : i32 to index
        %swap3A_371 = arith.constant 96 : index
        %swap3A_372 = tpu.vector_load %arg11[%swap3A_370, %swap3A_371] {strides = array<i32>} : memref<80x128xf32, #tpu.memory_space<vmem>>, vector<1x16xf32>,
        %swap3A_373 = vector.shape_cast %swap3A_372 : vector<1x16xf32> to vector<16xf32>
        %swap3A_374 = vector.shape_cast %mul3A_369 : vector<16xf32> to vector<1x16xf32>
        tpu.vector_store %arg11[%swap3A_370, %swap3A_371], %swap3A_374 {strides = array<i32>} : memref<80x128xf32, #tpu.memory_space<vmem>>, vector<1x16xf32>,
        %get3A_375 = arith.index_cast %add3A_304 : i32 to index
        %get3A_376 = arith.constant 112 : index
        %get3A_377 = tpu.vector_load %arg11[%get3A_375, %get3A_376] {strides = array<i32>} : memref<80x128xf32, #tpu.memory_space<vmem>>, vector<1x16xf32>,
        %get3A_378 = vector.shape_cast %get3A_377 : vector<1x16xf32> to vector<16xf32>
        %mul3A_379 = arith.mulf %get3A_378, %gather3A_300 : vector<16xf32>
        %swap3A_380 = arith.index_cast %add3A_304 : i32 to index
        %swap3A_381 = arith.constant 112 : index
        %swap3A_382 = tpu.vector_load %arg11[%swap3A_380, %swap3A_381] {strides = array<i32>} : memref<80x128xf32, #tpu.memory_space<vmem>>, vector<1x16xf32>,
        %swap3A_383 = vector.shape_cast %swap3A_382 : vector<1x16xf32> to vector<16xf32>
        %swap3A_384 = vector.shape_cast %mul3A_379 : vector<16xf32> to vector<1x16xf32>
        tpu.vector_store %arg11[%swap3A_380, %swap3A_381], %swap3A_384 {strides = array<i32>} : memref<80x128xf32, #tpu.memory_space<vmem>>, vector<1x16xf32>,
        %broadcast_in_dim3A_385 = arith.constant 4 : i32
        %broadcast_in_dim3A_386 = vector.broadcast %broadcast_in_dim3A_385 : i32 to vector<16x1xi32>
        %gather3A_387 = vector.shape_cast %broadcast_in_dim3A_386 : vector<16x1xi32> to vector<16xi32>
        %gather3A_388 = tpu.dynamic_gather %get3A_35[%gather3A_387] in [0] : vector<16xf32>, vector<16xi32> -> vector<16xf32>
        %mul3A_389 = arith.constant 16 : i32
        %mul3A_390 = arith.muli %scan3A_31, %mul3A_389 : i32
        %add3A_391 = arith.constant 4 : i32
        %add3A_392 = arith.addi %mul3A_390, %add3A_391 : i32
        %get3A_393 = arith.index_cast %add3A_392 : i32 to index
        %get3A_394 = arith.constant 0 : index
        %get3A_395 = tpu.vector_load %arg11[%get3A_393, %get3A_394] {strides = array<i32>} : memref<80x128xf32, #tpu.memory_space<vmem>>, vector<1x16xf32>,
        %get3A_396 = vector.shape_cast %get3A_395 : vector<1x16xf32> to vector<16xf32>
        %mul3A_397 = arith.mulf %get3A_396, %gather3A_388 : vector<16xf32>
        %swap3A_398 = arith.index_cast %add3A_392 : i32 to index
        %swap3A_399 = arith.constant 0 : index
        %swap3A_400 = tpu.vector_load %arg11[%swap3A_398, %swap3A_399] {strides = array<i32>} : memref<80x128xf32, #tpu.memory_space<vmem>>, vector<1x16xf32>,
        %swap3A_401 = vector.shape_cast %swap3A_400 : vector<1x16xf32> to vector<16xf32>
        %swap3A_402 = vector.shape_cast %mul3A_397 : vector<16xf32> to vector<1x16xf32>
        tpu.vector_store %arg11[%swap3A_398, %swap3A_399], %swap3A_402 {strides = array<i32>} : memref<80x128xf32, #tpu.memory_space<vmem>>, vector<1x16xf32>,
        %get3A_403 = arith.index_cast %add3A_392 : i32 to index
        %get3A_404 = arith.constant 16 : index
        %get3A_405 = tpu.vector_load %arg11[%get3A_403, %get3A_404] {strides = array<i32>} : memref<80x128xf32, #tpu.memory_space<vmem>>, vector<1x16xf32>,
        %get3A_406 = vector.shape_cast %get3A_405 : vector<1x16xf32> to vector<16xf32>
        %mul3A_407 = arith.mulf %get3A_406, %gather3A_388 : vector<16xf32>
        %swap3A_408 = arith.index_cast %add3A_392 : i32 to index
        %swap3A_409 = arith.constant 16 : index
        %swap3A_410 = tpu.vector_load %arg11[%swap3A_408, %swap3A_409] {strides = array<i32>} : memref<80x128xf32, #tpu.memory_space<vmem>>, vector<1x16xf32>,
        %swap3A_411 = vector.shape_cast %swap3A_410 : vector<1x16xf32> to vector<16xf32>
        %swap3A_412 = vector.shape_cast %mul3A_407 : vector<16xf32> to vector<1x16xf32>
        tpu.vector_store %arg11[%swap3A_408, %swap3A_409], %swap3A_412 {strides = array<i32>} : memref<80x128xf32, #tpu.memory_space<vmem>>, vector<1x16xf32>,
        %get3A_413 = arith.index_cast %add3A_392 : i32 to index
        %get3A_414 = arith.constant 32 : index
        %get3A_415 = tpu.vector_load %arg11[%get3A_413, %get3A_414] {strides = array<i32>} : memref<80x128xf32, #tpu.memory_space<vmem>>, vector<1x16xf32>,
        %get3A_416 = vector.shape_cast %get3A_415 : vector<1x16xf32> to vector<16xf32>
        %mul3A_417 = arith.mulf %get3A_416, %gather3A_388 : vector<16xf32>
        %swap3A_418 = arith.index_cast %add3A_392 : i32 to index
        %swap3A_419 = arith.constant 32 : index
        %swap3A_420 = tpu.vector_load %arg11[%swap3A_418, %swap3A_419] {strides = array<i32>} : memref<80x128xf32, #tpu.memory_space<vmem>>, vector<1x16xf32>,
        %swap3A_421 = vector.shape_cast %swap3A_420 : vector<1x16xf32> to vector<16xf32>
        %swap3A_422 = vector.shape_cast %mul3A_417 : vector<16xf32> to vector<1x16xf32>
        tpu.vector_store %arg11[%swap3A_418, %swap3A_419], %swap3A_422 {strides = array<i32>} : memref<80x128xf32, #tpu.memory_space<vmem>>, vector<1x16xf32>,
        %get3A_423 = arith.index_cast %add3A_392 : i32 to index
        %get3A_424 = arith.constant 48 : index
        %get3A_425 = tpu.vector_load %arg11[%get3A_423, %get3A_424] {strides = array<i32>} : memref<80x128xf32, #tpu.memory_space<vmem>>, vector<1x16xf32>,
        %get3A_426 = vector.shape_cast %get3A_425 : vector<1x16xf32> to vector<16xf32>
        %mul3A_427 = arith.mulf %get3A_426, %gather3A_388 : vector<16xf32>
        %swap3A_428 = arith.index_cast %add3A_392 : i32 to index
        %swap3A_429 = arith.constant 48 : index
        %swap3A_430 = tpu.vector_load %arg11[%swap3A_428, %swap3A_429] {strides = array<i32>} : memref<80x128xf32, #tpu.memory_space<vmem>>, vector<1x16xf32>,
        %swap3A_431 = vector.shape_cast %swap3A_430 : vector<1x16xf32> to vector<16xf32>
        %swap3A_432 = vector.shape_cast %mul3A_427 : vector<16xf32> to vector<1x16xf32>
        tpu.vector_store %arg11[%swap3A_428, %swap3A_429], %swap3A_432 {strides = array<i32>} : memref<80x128xf32, #tpu.memory_space<vmem>>, vector<1x16xf32>,
        %get3A_433 = arith.index_cast %add3A_392 : i32 to index
        %get3A_434 = arith.constant 64 : index
        %get3A_435 = tpu.vector_load %arg11[%get3A_433, %get3A_434] {strides = array<i32>} : memref<80x128xf32, #tpu.memory_space<vmem>>, vector<1x16xf32>,
        %get3A_436 = vector.shape_cast %get3A_435 : vector<1x16xf32> to vector<16xf32>
        %mul3A_437 = arith.mulf %get3A_436, %gather3A_388 : vector<16xf32>
        %swap3A_438 = arith.index_cast %add3A_392 : i32 to index
        %swap3A_439 = arith.constant 64 : index
        %swap3A_440 = tpu.vector_load %arg11[%swap3A_438, %swap3A_439] {strides = array<i32>} : memref<80x128xf32, #tpu.memory_space<vmem>>, vector<1x16xf32>,
        %swap3A_441 = vector.shape_cast %swap3A_440 : vector<1x16xf32> to vector<16xf32>
        %swap3A_442 = vector.shape_cast %mul3A_437 : vector<16xf32> to vector<1x16xf32>
        tpu.vector_store %arg11[%swap3A_438, %swap3A_439], %swap3A_442 {strides = array<i32>} : memref<80x128xf32, #tpu.memory_space<vmem>>, vector<1x16xf32>,
        %get3A_443 = arith.index_cast %add3A_392 : i32 to index
        %get3A_444 = arith.constant 80 : index
        %get3A_445 = tpu.vector_load %arg11[%get3A_443, %get3A_444] {strides = array<i32>} : memref<80x128xf32, #tpu.memory_space<vmem>>, vector<1x16xf32>,
        %get3A_446 = vector.shape_cast %get3A_445 : vector<1x16xf32> to vector<16xf32>
        %mul3A_447 = arith.mulf %get3A_446, %gather3A_388 : vector<16xf32>
        %swap3A_448 = arith.index_cast %add3A_392 : i32 to index
        %swap3A_449 = arith.constant 80 : index
        %swap3A_450 = tpu.vector_load %arg11[%swap3A_448, %swap3A_449] {strides = array<i32>} : memref<80x128xf32, #tpu.memory_space<vmem>>, vector<1x16xf32>,
        %swap3A_451 = vector.shape_cast %swap3A_450 : vector<1x16xf32> to vector<16xf32>
        %swap3A_452 = vector.shape_cast %mul3A_447 : vector<16xf32> to vector<1x16xf32>
        tpu.vector_store %arg11[%swap3A_448, %swap3A_449], %swap3A_452 {strides = array<i32>} : memref<80x128xf32, #tpu.memory_space<vmem>>, vector<1x16xf32>,
        %get3A_453 = arith.index_cast %add3A_392 : i32 to index
        %get3A_454 = arith.constant 96 : index
        %get3A_455 = tpu.vector_load %arg11[%get3A_453, %get3A_454] {strides = array<i32>} : memref<80x128xf32, #tpu.memory_space<vmem>>, vector<1x16xf32>,
        %get3A_456 = vector.shape_cast %get3A_455 : vector<1x16xf32> to vector<16xf32>
        %mul3A_457 = arith.mulf %get3A_456, %gather3A_388 : vector<16xf32>
        %swap3A_458 = arith.index_cast %add3A_392 : i32 to index
        %swap3A_459 = arith.constant 96 : index
        %swap3A_460 = tpu.vector_load %arg11[%swap3A_458, %swap3A_459] {strides = array<i32>} : memref<80x128xf32, #tpu.memory_space<vmem>>, vector<1x16xf32>,
        %swap3A_461 = vector.shape_cast %swap3A_460 : vector<1x16xf32> to vector<16xf32>
        %swap3A_462 = vector.shape_cast %mul3A_457 : vector<16xf32> to vector<1x16xf32>
        tpu.vector_store %arg11[%swap3A_458, %swap3A_459], %swap3A_462 {strides = array<i32>} : memref<80x128xf32, #tpu.memory_space<vmem>>, vector<1x16xf32>,
        %get3A_463 = arith.index_cast %add3A_392 : i32 to index
        %get3A_464 = arith.constant 112 : index
        %get3A_465 = tpu.vector_load %arg11[%get3A_463, %get3A_464] {strides = array<i32>} : memref<80x128xf32, #tpu.memory_space<vmem>>, vector<1x16xf32>,
        %get3A_466 = vector.shape_cast %get3A_465 : vector<1x16xf32> to vector<16xf32>
        %mul3A_467 = arith.mulf %get3A_466, %gather3A_388 : vector<16xf32>
        %swap3A_468 = arith.index_cast %add3A_392 : i32 to index
        %swap3A_469 = arith.constant 112 : index
        %swap3A_470 = tpu.vector_load %arg11[%swap3A_468, %swap3A_469] {strides = array<i32>} : memref<80x128xf32, #tpu.memory_space<vmem>>, vector<1x16xf32>,
        %swap3A_471 = vector.shape_cast %swap3A_470 : vector<1x16xf32> to vector<16xf32>
        %swap3A_472 = vector.shape_cast %mul3A_467 : vector<16xf32> to vector<1x16xf32>
        tpu.vector_store %arg11[%swap3A_468, %swap3A_469], %swap3A_472 {strides = array<i32>} : memref<80x128xf32, #tpu.memory_space<vmem>>, vector<1x16xf32>,
        %broadcast_in_dim3A_473 = arith.constant 5 : i32
        %broadcast_in_dim3A_474 = vector.broadcast %broadcast_in_dim3A_473 : i32 to vector<16x1xi32>
        %gather3A_475 = vector.shape_cast %broadcast_in_dim3A_474 : vector<16x1xi32> to vector<16xi32>
        %gather3A_476 = tpu.dynamic_gather %get3A_35[%gather3A_475] in [0] : vector<16xf32>, vector<16xi32> -> vector<16xf32>
        %mul3A_477 = arith.constant 16 : i32
        %mul3A_478 = arith.muli %scan3A_31, %mul3A_477 : i32
        %add3A_479 = arith.constant 5 : i32
        %add3A_480 = arith.addi %mul3A_478, %add3A_479 : i32
        %get3A_481 = arith.index_cast %add3A_480 : i32 to index
        %get3A_482 = arith.constant 0 : index
        %get3A_483 = tpu.vector_load %arg11[%get3A_481, %get3A_482] {strides = array<i32>} : memref<80x128xf32, #tpu.memory_space<vmem>>, vector<1x16xf32>,
        %get3A_484 = vector.shape_cast %get3A_483 : vector<1x16xf32> to vector<16xf32>
        %mul3A_485 = arith.mulf %get3A_484, %gather3A_476 : vector<16xf32>
        %swap3A_486 = arith.index_cast %add3A_480 : i32 to index
        %swap3A_487 = arith.constant 0 : index
        %swap3A_488 = tpu.vector_load %arg11[%swap3A_486, %swap3A_487] {strides = array<i32>} : memref<80x128xf32, #tpu.memory_space<vmem>>, vector<1x16xf32>,
        %swap3A_489 = vector.shape_cast %swap3A_488 : vector<1x16xf32> to vector<16xf32>
        %swap3A_490 = vector.shape_cast %mul3A_485 : vector<16xf32> to vector<1x16xf32>
        tpu.vector_store %arg11[%swap3A_486, %swap3A_487], %swap3A_490 {strides = array<i32>} : memref<80x128xf32, #tpu.memory_space<vmem>>, vector<1x16xf32>,
        %get3A_491 = arith.index_cast %add3A_480 : i32 to index
        %get3A_492 = arith.constant 16 : index
        %get3A_493 = tpu.vector_load %arg11[%get3A_491, %get3A_492] {strides = array<i32>} : memref<80x128xf32, #tpu.memory_space<vmem>>, vector<1x16xf32>,
        %get3A_494 = vector.shape_cast %get3A_493 : vector<1x16xf32> to vector<16xf32>
        %mul3A_495 = arith.mulf %get3A_494, %gather3A_476 : vector<16xf32>
        %swap3A_496 = arith.index_cast %add3A_480 : i32 to index
        %swap3A_497 = arith.constant 16 : index
        %swap3A_498 = tpu.vector_load %arg11[%swap3A_496, %swap3A_497] {strides = array<i32>} : memref<80x128xf32, #tpu.memory_space<vmem>>, vector<1x16xf32>,
        %swap3A_499 = vector.shape_cast %swap3A_498 : vector<1x16xf32> to vector<16xf32>
        %swap3A_500 = vector.shape_cast %mul3A_495 : vector<16xf32> to vector<1x16xf32>
        tpu.vector_store %arg11[%swap3A_496, %swap3A_497], %swap3A_500 {strides = array<i32>} : memref<80x128xf32, #tpu.memory_space<vmem>>, vector<1x16xf32>,
        %get3A_501 = arith.index_cast %add3A_480 : i32 to index
        %get3A_502 = arith.constant 32 : index
        %get3A_503 = tpu.vector_load %arg11[%get3A_501, %get3A_502] {strides = array<i32>} : memref<80x128xf32, #tpu.memory_space<vmem>>, vector<1x16xf32>,
        %get3A_504 = vector.shape_cast %get3A_503 : vector<1x16xf32> to vector<16xf32>
        %mul3A_505 = arith.mulf %get3A_504, %gather3A_476 : vector<16xf32>
        %swap3A_506 = arith.index_cast %add3A_480 : i32 to index
        %swap3A_507 = arith.constant 32 : index
        %swap3A_508 = tpu.vector_load %arg11[%swap3A_506, %swap3A_507] {strides = array<i32>} : memref<80x128xf32, #tpu.memory_space<vmem>>, vector<1x16xf32>,
        %swap3A_509 = vector.shape_cast %swap3A_508 : vector<1x16xf32> to vector<16xf32>
        %swap3A_510 = vector.shape_cast %mul3A_505 : vector<16xf32> to vector<1x16xf32>
        tpu.vector_store %arg11[%swap3A_506, %swap3A_507], %swap3A_510 {strides = array<i32>} : memref<80x128xf32, #tpu.memory_space<vmem>>, vector<1x16xf32>,
        %get3A_511 = arith.index_cast %add3A_480 : i32 to index
        %get3A_512 = arith.constant 48 : index
        %get3A_513 = tpu.vector_load %arg11[%get3A_511, %get3A_512] {strides = array<i32>} : memref<80x128xf32, #tpu.memory_space<vmem>>, vector<1x16xf32>,
        %get3A_514 = vector.shape_cast %get3A_513 : vector<1x16xf32> to vector<16xf32>
        %mul3A_515 = arith.mulf %get3A_514, %gather3A_476 : vector<16xf32>
        %swap3A_516 = arith.index_cast %add3A_480 : i32 to index
        %swap3A_517 = arith.constant 48 : index
        %swap3A_518 = tpu.vector_load %arg11[%swap3A_516, %swap3A_517] {strides = array<i32>} : memref<80x128xf32, #tpu.memory_space<vmem>>, vector<1x16xf32>,
        %swap3A_519 = vector.shape_cast %swap3A_518 : vector<1x16xf32> to vector<16xf32>
        %swap3A_520 = vector.shape_cast %mul3A_515 : vector<16xf32> to vector<1x16xf32>
        tpu.vector_store %arg11[%swap3A_516, %swap3A_517], %swap3A_520 {strides = array<i32>} : memref<80x128xf32, #tpu.memory_space<vmem>>, vector<1x16xf32>,
        %get3A_521 = arith.index_cast %add3A_480 : i32 to index
        %get3A_522 = arith.constant 64 : index
        %get3A_523 = tpu.vector_load %arg11[%get3A_521, %get3A_522] {strides = array<i32>} : memref<80x128xf32, #tpu.memory_space<vmem>>, vector<1x16xf32>,
        %get3A_524 = vector.shape_cast %get3A_523 : vector<1x16xf32> to vector<16xf32>
        %mul3A_525 = arith.mulf %get3A_524, %gather3A_476 : vector<16xf32>
        %swap3A_526 = arith.index_cast %add3A_480 : i32 to index
        %swap3A_527 = arith.constant 64 : index
        %swap3A_528 = tpu.vector_load %arg11[%swap3A_526, %swap3A_527] {strides = array<i32>} : memref<80x128xf32, #tpu.memory_space<vmem>>, vector<1x16xf32>,
        %swap3A_529 = vector.shape_cast %swap3A_528 : vector<1x16xf32> to vector<16xf32>
        %swap3A_530 = vector.shape_cast %mul3A_525 : vector<16xf32> to vector<1x16xf32>
        tpu.vector_store %arg11[%swap3A_526, %swap3A_527], %swap3A_530 {strides = array<i32>} : memref<80x128xf32, #tpu.memory_space<vmem>>, vector<1x16xf32>,
        %get3A_531 = arith.index_cast %add3A_480 : i32 to index
        %get3A_532 = arith.constant 80 : index
        %get3A_533 = tpu.vector_load %arg11[%get3A_531, %get3A_532] {strides = array<i32>} : memref<80x128xf32, #tpu.memory_space<vmem>>, vector<1x16xf32>,
        %get3A_534 = vector.shape_cast %get3A_533 : vector<1x16xf32> to vector<16xf32>
        %mul3A_535 = arith.mulf %get3A_534, %gather3A_476 : vector<16xf32>
        %swap3A_536 = arith.index_cast %add3A_480 : i32 to index
        %swap3A_537 = arith.constant 80 : index
        %swap3A_538 = tpu.vector_load %arg11[%swap3A_536, %swap3A_537] {strides = array<i32>} : memref<80x128xf32, #tpu.memory_space<vmem>>, vector<1x16xf32>,
        %swap3A_539 = vector.shape_cast %swap3A_538 : vector<1x16xf32> to vector<16xf32>
        %swap3A_540 = vector.shape_cast %mul3A_535 : vector<16xf32> to vector<1x16xf32>
        tpu.vector_store %arg11[%swap3A_536, %swap3A_537], %swap3A_540 {strides = array<i32>} : memref<80x128xf32, #tpu.memory_space<vmem>>, vector<1x16xf32>,
        %get3A_541 = arith.index_cast %add3A_480 : i32 to index
        %get3A_542 = arith.constant 96 : index
        %get3A_543 = tpu.vector_load %arg11[%get3A_541, %get3A_542] {strides = array<i32>} : memref<80x128xf32, #tpu.memory_space<vmem>>, vector<1x16xf32>,
        %get3A_544 = vector.shape_cast %get3A_543 : vector<1x16xf32> to vector<16xf32>
        %mul3A_545 = arith.mulf %get3A_544, %gather3A_476 : vector<16xf32>
        %swap3A_546 = arith.index_cast %add3A_480 : i32 to index
        %swap3A_547 = arith.constant 96 : index
        %swap3A_548 = tpu.vector_load %arg11[%swap3A_546, %swap3A_547] {strides = array<i32>} : memref<80x128xf32, #tpu.memory_space<vmem>>, vector<1x16xf32>,
        %swap3A_549 = vector.shape_cast %swap3A_548 : vector<1x16xf32> to vector<16xf32>
        %swap3A_550 = vector.shape_cast %mul3A_545 : vector<16xf32> to vector<1x16xf32>
        tpu.vector_store %arg11[%swap3A_546, %swap3A_547], %swap3A_550 {strides = array<i32>} : memref<80x128xf32, #tpu.memory_space<vmem>>, vector<1x16xf32>,
        %get3A_551 = arith.index_cast %add3A_480 : i32 to index
        %get3A_552 = arith.constant 112 : index
        %get3A_553 = tpu.vector_load %arg11[%get3A_551, %get3A_552] {strides = array<i32>} : memref<80x128xf32, #tpu.memory_space<vmem>>, vector<1x16xf32>,
        %get3A_554 = vector.shape_cast %get3A_553 : vector<1x16xf32> to vector<16xf32>
        %mul3A_555 = arith.mulf %get3A_554, %gather3A_476 : vector<16xf32>
        %swap3A_556 = arith.index_cast %add3A_480 : i32 to index
        %swap3A_557 = arith.constant 112 : index
        %swap3A_558 = tpu.vector_load %arg11[%swap3A_556, %swap3A_557] {strides = array<i32>} : memref<80x128xf32, #tpu.memory_space<vmem>>, vector<1x16xf32>,
        %swap3A_559 = vector.shape_cast %swap3A_558 : vector<1x16xf32> to vector<16xf32>
        %swap3A_560 = vector.shape_cast %mul3A_555 : vector<16xf32> to vector<1x16xf32>
        tpu.vector_store %arg11[%swap3A_556, %swap3A_557], %swap3A_560 {strides = array<i32>} : memref<80x128xf32, #tpu.memory_space<vmem>>, vector<1x16xf32>,
        %broadcast_in_dim3A_561 = arith.constant 6 : i32
        %broadcast_in_dim3A_562 = vector.broadcast %broadcast_in_dim3A_561 : i32 to vector<16x1xi32>
        %gather3A_563 = vector.shape_cast %broadcast_in_dim3A_562 : vector<16x1xi32> to vector<16xi32>
        %gather3A_564 = tpu.dynamic_gather %get3A_35[%gather3A_563] in [0] : vector<16xf32>, vector<16xi32> -> vector<16xf32>
        %mul3A_565 = arith.constant 16 : i32
        %mul3A_566 = arith.muli %scan3A_31, %mul3A_565 : i32
        %add3A_567 = arith.constant 6 : i32
        %add3A_568 = arith.addi %mul3A_566, %add3A_567 : i32
        %get3A_569 = arith.index_cast %add3A_568 : i32 to index
        %get3A_570 = arith.constant 0 : index
        %get3A_571 = tpu.vector_load %arg11[%get3A_569, %get3A_570] {strides = array<i32>} : memref<80x128xf32, #tpu.memory_space<vmem>>, vector<1x16xf32>,
        %get3A_572 = vector.shape_cast %get3A_571 : vector<1x16xf32> to vector<16xf32>
        %mul3A_573 = arith.mulf %get3A_572, %gather3A_564 : vector<16xf32>
        %swap3A_574 = arith.index_cast %add3A_568 : i32 to index
        %swap3A_575 = arith.constant 0 : index
        %swap3A_576 = tpu.vector_load %arg11[%swap3A_574, %swap3A_575] {strides = array<i32>} : memref<80x128xf32, #tpu.memory_space<vmem>>, vector<1x16xf32>,
        %swap3A_577 = vector.shape_cast %swap3A_576 : vector<1x16xf32> to vector<16xf32>
        %swap3A_578 = vector.shape_cast %mul3A_573 : vector<16xf32> to vector<1x16xf32>
        tpu.vector_store %arg11[%swap3A_574, %swap3A_575], %swap3A_578 {strides = array<i32>} : memref<80x128xf32, #tpu.memory_space<vmem>>, vector<1x16xf32>,
        %get3A_579 = arith.index_cast %add3A_568 : i32 to index
        %get3A_580 = arith.constant 16 : index
        %get3A_581 = tpu.vector_load %arg11[%get3A_579, %get3A_580] {strides = array<i32>} : memref<80x128xf32, #tpu.memory_space<vmem>>, vector<1x16xf32>,
        %get3A_582 = vector.shape_cast %get3A_581 : vector<1x16xf32> to vector<16xf32>
        %mul3A_583 = arith.mulf %get3A_582, %gather3A_564 : vector<16xf32>
        %swap3A_584 = arith.index_cast %add3A_568 : i32 to index
        %swap3A_585 = arith.constant 16 : index
        %swap3A_586 = tpu.vector_load %arg11[%swap3A_584, %swap3A_585] {strides = array<i32>} : memref<80x128xf32, #tpu.memory_space<vmem>>, vector<1x16xf32>,
        %swap3A_587 = vector.shape_cast %swap3A_586 : vector<1x16xf32> to vector<16xf32>
        %swap3A_588 = vector.shape_cast %mul3A_583 : vector<16xf32> to vector<1x16xf32>
        tpu.vector_store %arg11[%swap3A_584, %swap3A_585], %swap3A_588 {strides = array<i32>} : memref<80x128xf32, #tpu.memory_space<vmem>>, vector<1x16xf32>,
        %get3A_589 = arith.index_cast %add3A_568 : i32 to index
        %get3A_590 = arith.constant 32 : index
        %get3A_591 = tpu.vector_load %arg11[%get3A_589, %get3A_590] {strides = array<i32>} : memref<80x128xf32, #tpu.memory_space<vmem>>, vector<1x16xf32>,
        %get3A_592 = vector.shape_cast %get3A_591 : vector<1x16xf32> to vector<16xf32>
        %mul3A_593 = arith.mulf %get3A_592, %gather3A_564 : vector<16xf32>
        %swap3A_594 = arith.index_cast %add3A_568 : i32 to index
        %swap3A_595 = arith.constant 32 : index
        %swap3A_596 = tpu.vector_load %arg11[%swap3A_594, %swap3A_595] {strides = array<i32>} : memref<80x128xf32, #tpu.memory_space<vmem>>, vector<1x16xf32>,
        %swap3A_597 = vector.shape_cast %swap3A_596 : vector<1x16xf32> to vector<16xf32>
        %swap3A_598 = vector.shape_cast %mul3A_593 : vector<16xf32> to vector<1x16xf32>
        tpu.vector_store %arg11[%swap3A_594, %swap3A_595], %swap3A_598 {strides = array<i32>} : memref<80x128xf32, #tpu.memory_space<vmem>>, vector<1x16xf32>,
        %get3A_599 = arith.index_cast %add3A_568 : i32 to index
        %get3A_600 = arith.constant 48 : index
        %get3A_601 = tpu.vector_load %arg11[%get3A_599, %get3A_600] {strides = array<i32>} : memref<80x128xf32, #tpu.memory_space<vmem>>, vector<1x16xf32>,
        %get3A_602 = vector.shape_cast %get3A_601 : vector<1x16xf32> to vector<16xf32>
        %mul3A_603 = arith.mulf %get3A_602, %gather3A_564 : vector<16xf32>
        %swap3A_604 = arith.index_cast %add3A_568 : i32 to index
        %swap3A_605 = arith.constant 48 : index
        %swap3A_606 = tpu.vector_load %arg11[%swap3A_604, %swap3A_605] {strides = array<i32>} : memref<80x128xf32, #tpu.memory_space<vmem>>, vector<1x16xf32>,
        %swap3A_607 = vector.shape_cast %swap3A_606 : vector<1x16xf32> to vector<16xf32>
        %swap3A_608 = vector.shape_cast %mul3A_603 : vector<16xf32> to vector<1x16xf32>
        tpu.vector_store %arg11[%swap3A_604, %swap3A_605], %swap3A_608 {strides = array<i32>} : memref<80x128xf32, #tpu.memory_space<vmem>>, vector<1x16xf32>,
        %get3A_609 = arith.index_cast %add3A_568 : i32 to index
        %get3A_610 = arith.constant 64 : index
        %get3A_611 = tpu.vector_load %arg11[%get3A_609, %get3A_610] {strides = array<i32>} : memref<80x128xf32, #tpu.memory_space<vmem>>, vector<1x16xf32>,
        %get3A_612 = vector.shape_cast %get3A_611 : vector<1x16xf32> to vector<16xf32>
        %mul3A_613 = arith.mulf %get3A_612, %gather3A_564 : vector<16xf32>
        %swap3A_614 = arith.index_cast %add3A_568 : i32 to index
        %swap3A_615 = arith.constant 64 : index
        %swap3A_616 = tpu.vector_load %arg11[%swap3A_614, %swap3A_615] {strides = array<i32>} : memref<80x128xf32, #tpu.memory_space<vmem>>, vector<1x16xf32>,
        %swap3A_617 = vector.shape_cast %swap3A_616 : vector<1x16xf32> to vector<16xf32>
        %swap3A_618 = vector.shape_cast %mul3A_613 : vector<16xf32> to vector<1x16xf32>
        tpu.vector_store %arg11[%swap3A_614, %swap3A_615], %swap3A_618 {strides = array<i32>} : memref<80x128xf32, #tpu.memory_space<vmem>>, vector<1x16xf32>,
        %get3A_619 = arith.index_cast %add3A_568 : i32 to index
        %get3A_620 = arith.constant 80 : index
        %get3A_621 = tpu.vector_load %arg11[%get3A_619, %get3A_620] {strides = array<i32>} : memref<80x128xf32, #tpu.memory_space<vmem>>, vector<1x16xf32>,
        %get3A_622 = vector.shape_cast %get3A_621 : vector<1x16xf32> to vector<16xf32>
        %mul3A_623 = arith.mulf %get3A_622, %gather3A_564 : vector<16xf32>
        %swap3A_624 = arith.index_cast %add3A_568 : i32 to index
        %swap3A_625 = arith.constant 80 : index
        %swap3A_626 = tpu.vector_load %arg11[%swap3A_624, %swap3A_625] {strides = array<i32>} : memref<80x128xf32, #tpu.memory_space<vmem>>, vector<1x16xf32>,
        %swap3A_627 = vector.shape_cast %swap3A_626 : vector<1x16xf32> to vector<16xf32>
        %swap3A_628 = vector.shape_cast %mul3A_623 : vector<16xf32> to vector<1x16xf32>
        tpu.vector_store %arg11[%swap3A_624, %swap3A_625], %swap3A_628 {strides = array<i32>} : memref<80x128xf32, #tpu.memory_space<vmem>>, vector<1x16xf32>,
        %get3A_629 = arith.index_cast %add3A_568 : i32 to index
        %get3A_630 = arith.constant 96 : index
        %get3A_631 = tpu.vector_load %arg11[%get3A_629, %get3A_630] {strides = array<i32>} : memref<80x128xf32, #tpu.memory_space<vmem>>, vector<1x16xf32>,
        %get3A_632 = vector.shape_cast %get3A_631 : vector<1x16xf32> to vector<16xf32>
        %mul3A_633 = arith.mulf %get3A_632, %gather3A_564 : vector<16xf32>
        %swap3A_634 = arith.index_cast %add3A_568 : i32 to index
        %swap3A_635 = arith.constant 96 : index
        %swap3A_636 = tpu.vector_load %arg11[%swap3A_634, %swap3A_635] {strides = array<i32>} : memref<80x128xf32, #tpu.memory_space<vmem>>, vector<1x16xf32>,
        %swap3A_637 = vector.shape_cast %swap3A_636 : vector<1x16xf32> to vector<16xf32>
        %swap3A_638 = vector.shape_cast %mul3A_633 : vector<16xf32> to vector<1x16xf32>
        tpu.vector_store %arg11[%swap3A_634, %swap3A_635], %swap3A_638 {strides = array<i32>} : memref<80x128xf32, #tpu.memory_space<vmem>>, vector<1x16xf32>,
        %get3A_639 = arith.index_cast %add3A_568 : i32 to index
        %get3A_640 = arith.constant 112 : index
        %get3A_641 = tpu.vector_load %arg11[%get3A_639, %get3A_640] {strides = array<i32>} : memref<80x128xf32, #tpu.memory_space<vmem>>, vector<1x16xf32>,
        %get3A_642 = vector.shape_cast %get3A_641 : vector<1x16xf32> to vector<16xf32>
        %mul3A_643 = arith.mulf %get3A_642, %gather3A_564 : vector<16xf32>
        %swap3A_644 = arith.index_cast %add3A_568 : i32 to index
        %swap3A_645 = arith.constant 112 : index
        %swap3A_646 = tpu.vector_load %arg11[%swap3A_644, %swap3A_645] {strides = array<i32>} : memref<80x128xf32, #tpu.memory_space<vmem>>, vector<1x16xf32>,
        %swap3A_647 = vector.shape_cast %swap3A_646 : vector<1x16xf32> to vector<16xf32>
        %swap3A_648 = vector.shape_cast %mul3A_643 : vector<16xf32> to vector<1x16xf32>
        tpu.vector_store %arg11[%swap3A_644, %swap3A_645], %swap3A_648 {strides = array<i32>} : memref<80x128xf32, #tpu.memory_space<vmem>>, vector<1x16xf32>,
        %broadcast_in_dim3A_649 = arith.constant 7 : i32
        %broadcast_in_dim3A_650 = vector.broadcast %broadcast_in_dim3A_649 : i32 to vector<16x1xi32>
        %gather3A_651 = vector.shape_cast %broadcast_in_dim3A_650 : vector<16x1xi32> to vector<16xi32>
        %gather3A_652 = tpu.dynamic_gather %get3A_35[%gather3A_651] in [0] : vector<16xf32>, vector<16xi32> -> vector<16xf32>
        %mul3A_653 = arith.constant 16 : i32
        %mul3A_654 = arith.muli %scan3A_31, %mul3A_653 : i32
        %add3A_655 = arith.constant 7 : i32
        %add3A_656 = arith.addi %mul3A_654, %add3A_655 : i32
        %get3A_657 = arith.index_cast %add3A_656 : i32 to index
        %get3A_658 = arith.constant 0 : index
        %get3A_659 = tpu.vector_load %arg11[%get3A_657, %get3A_658] {strides = array<i32>} : memref<80x128xf32, #tpu.memory_space<vmem>>, vector<1x16xf32>,
        %get3A_660 = vector.shape_cast %get3A_659 : vector<1x16xf32> to vector<16xf32>
        %mul3A_661 = arith.mulf %get3A_660, %gather3A_652 : vector<16xf32>
        %swap3A_662 = arith.index_cast %add3A_656 : i32 to index
        %swap3A_663 = arith.constant 0 : index
        %swap3A_664 = tpu.vector_load %arg11[%swap3A_662, %swap3A_663] {strides = array<i32>} : memref<80x128xf32, #tpu.memory_space<vmem>>, vector<1x16xf32>,
        %swap3A_665 = vector.shape_cast %swap3A_664 : vector<1x16xf32> to vector<16xf32>
        %swap3A_666 = vector.shape_cast %mul3A_661 : vector<16xf32> to vector<1x16xf32>
        tpu.vector_store %arg11[%swap3A_662, %swap3A_663], %swap3A_666 {strides = array<i32>} : memref<80x128xf32, #tpu.memory_space<vmem>>, vector<1x16xf32>,
        %get3A_667 = arith.index_cast %add3A_656 : i32 to index
        %get3A_668 = arith.constant 16 : index
        %get3A_669 = tpu.vector_load %arg11[%get3A_667, %get3A_668] {strides = array<i32>} : memref<80x128xf32, #tpu.memory_space<vmem>>, vector<1x16xf32>,
        %get3A_670 = vector.shape_cast %get3A_669 : vector<1x16xf32> to vector<16xf32>
        %mul3A_671 = arith.mulf %get3A_670, %gather3A_652 : vector<16xf32>
        %swap3A_672 = arith.index_cast %add3A_656 : i32 to index
        %swap3A_673 = arith.constant 16 : index
        %swap3A_674 = tpu.vector_load %arg11[%swap3A_672, %swap3A_673] {strides = array<i32>} : memref<80x128xf32, #tpu.memory_space<vmem>>, vector<1x16xf32>,
        %swap3A_675 = vector.shape_cast %swap3A_674 : vector<1x16xf32> to vector<16xf32>
        %swap3A_676 = vector.shape_cast %mul3A_671 : vector<16xf32> to vector<1x16xf32>
        tpu.vector_store %arg11[%swap3A_672, %swap3A_673], %swap3A_676 {strides = array<i32>} : memref<80x128xf32, #tpu.memory_space<vmem>>, vector<1x16xf32>,
        %get3A_677 = arith.index_cast %add3A_656 : i32 to index
        %get3A_678 = arith.constant 32 : index
        %get3A_679 = tpu.vector_load %arg11[%get3A_677, %get3A_678] {strides = array<i32>} : memref<80x128xf32, #tpu.memory_space<vmem>>, vector<1x16xf32>,
        %get3A_680 = vector.shape_cast %get3A_679 : vector<1x16xf32> to vector<16xf32>
        %mul3A_681 = arith.mulf %get3A_680, %gather3A_652 : vector<16xf32>
        %swap3A_682 = arith.index_cast %add3A_656 : i32 to index
        %swap3A_683 = arith.constant 32 : index
        %swap3A_684 = tpu.vector_load %arg11[%swap3A_682, %swap3A_683] {strides = array<i32>} : memref<80x128xf32, #tpu.memory_space<vmem>>, vector<1x16xf32>,
        %swap3A_685 = vector.shape_cast %swap3A_684 : vector<1x16xf32> to vector<16xf32>
        %swap3A_686 = vector.shape_cast %mul3A_681 : vector<16xf32> to vector<1x16xf32>
        tpu.vector_store %arg11[%swap3A_682, %swap3A_683], %swap3A_686 {strides = array<i32>} : memref<80x128xf32, #tpu.memory_space<vmem>>, vector<1x16xf32>,
        %get3A_687 = arith.index_cast %add3A_656 : i32 to index
        %get3A_688 = arith.constant 48 : index
        %get3A_689 = tpu.vector_load %arg11[%get3A_687, %get3A_688] {strides = array<i32>} : memref<80x128xf32, #tpu.memory_space<vmem>>, vector<1x16xf32>,
        %get3A_690 = vector.shape_cast %get3A_689 : vector<1x16xf32> to vector<16xf32>
        %mul3A_691 = arith.mulf %get3A_690, %gather3A_652 : vector<16xf32>
        %swap3A_692 = arith.index_cast %add3A_656 : i32 to index
        %swap3A_693 = arith.constant 48 : index
        %swap3A_694 = tpu.vector_load %arg11[%swap3A_692, %swap3A_693] {strides = array<i32>} : memref<80x128xf32, #tpu.memory_space<vmem>>, vector<1x16xf32>,
        %swap3A_695 = vector.shape_cast %swap3A_694 : vector<1x16xf32> to vector<16xf32>
        %swap3A_696 = vector.shape_cast %mul3A_691 : vector<16xf32> to vector<1x16xf32>
        tpu.vector_store %arg11[%swap3A_692, %swap3A_693], %swap3A_696 {strides = array<i32>} : memref<80x128xf32, #tpu.memory_space<vmem>>, vector<1x16xf32>,
        %get3A_697 = arith.index_cast %add3A_656 : i32 to index
        %get3A_698 = arith.constant 64 : index
        %get3A_699 = tpu.vector_load %arg11[%get3A_697, %get3A_698] {strides = array<i32>} : memref<80x128xf32, #tpu.memory_space<vmem>>, vector<1x16xf32>,
        %get3A_700 = vector.shape_cast %get3A_699 : vector<1x16xf32> to vector<16xf32>
        %mul3A_701 = arith.mulf %get3A_700, %gather3A_652 : vector<16xf32>
        %swap3A_702 = arith.index_cast %add3A_656 : i32 to index
        %swap3A_703 = arith.constant 64 : index
        %swap3A_704 = tpu.vector_load %arg11[%swap3A_702, %swap3A_703] {strides = array<i32>} : memref<80x128xf32, #tpu.memory_space<vmem>>, vector<1x16xf32>,
        %swap3A_705 = vector.shape_cast %swap3A_704 : vector<1x16xf32> to vector<16xf32>
        %swap3A_706 = vector.shape_cast %mul3A_701 : vector<16xf32> to vector<1x16xf32>
        tpu.vector_store %arg11[%swap3A_702, %swap3A_703], %swap3A_706 {strides = array<i32>} : memref<80x128xf32, #tpu.memory_space<vmem>>, vector<1x16xf32>,
        %get3A_707 = arith.index_cast %add3A_656 : i32 to index
        %get3A_708 = arith.constant 80 : index
        %get3A_709 = tpu.vector_load %arg11[%get3A_707, %get3A_708] {strides = array<i32>} : memref<80x128xf32, #tpu.memory_space<vmem>>, vector<1x16xf32>,
        %get3A_710 = vector.shape_cast %get3A_709 : vector<1x16xf32> to vector<16xf32>
        %mul3A_711 = arith.mulf %get3A_710, %gather3A_652 : vector<16xf32>
        %swap3A_712 = arith.index_cast %add3A_656 : i32 to index
        %swap3A_713 = arith.constant 80 : index
        %swap3A_714 = tpu.vector_load %arg11[%swap3A_712, %swap3A_713] {strides = array<i32>} : memref<80x128xf32, #tpu.memory_space<vmem>>, vector<1x16xf32>,
        %swap3A_715 = vector.shape_cast %swap3A_714 : vector<1x16xf32> to vector<16xf32>
        %swap3A_716 = vector.shape_cast %mul3A_711 : vector<16xf32> to vector<1x16xf32>
        tpu.vector_store %arg11[%swap3A_712, %swap3A_713], %swap3A_716 {strides = array<i32>} : memref<80x128xf32, #tpu.memory_space<vmem>>, vector<1x16xf32>,
        %get3A_717 = arith.index_cast %add3A_656 : i32 to index
        %get3A_718 = arith.constant 96 : index
        %get3A_719 = tpu.vector_load %arg11[%get3A_717, %get3A_718] {strides = array<i32>} : memref<80x128xf32, #tpu.memory_space<vmem>>, vector<1x16xf32>,
        %get3A_720 = vector.shape_cast %get3A_719 : vector<1x16xf32> to vector<16xf32>
        %mul3A_721 = arith.mulf %get3A_720, %gather3A_652 : vector<16xf32>
        %swap3A_722 = arith.index_cast %add3A_656 : i32 to index
        %swap3A_723 = arith.constant 96 : index
        %swap3A_724 = tpu.vector_load %arg11[%swap3A_722, %swap3A_723] {strides = array<i32>} : memref<80x128xf32, #tpu.memory_space<vmem>>, vector<1x16xf32>,
        %swap3A_725 = vector.shape_cast %swap3A_724 : vector<1x16xf32> to vector<16xf32>
        %swap3A_726 = vector.shape_cast %mul3A_721 : vector<16xf32> to vector<1x16xf32>
        tpu.vector_store %arg11[%swap3A_722, %swap3A_723], %swap3A_726 {strides = array<i32>} : memref<80x128xf32, #tpu.memory_space<vmem>>, vector<1x16xf32>,
        %get3A_727 = arith.index_cast %add3A_656 : i32 to index
        %get3A_728 = arith.constant 112 : index
        %get3A_729 = tpu.vector_load %arg11[%get3A_727, %get3A_728] {strides = array<i32>} : memref<80x128xf32, #tpu.memory_space<vmem>>, vector<1x16xf32>,
        %get3A_730 = vector.shape_cast %get3A_729 : vector<1x16xf32> to vector<16xf32>
        %mul3A_731 = arith.mulf %get3A_730, %gather3A_652 : vector<16xf32>
        %swap3A_732 = arith.index_cast %add3A_656 : i32 to index
        %swap3A_733 = arith.constant 112 : index
        %swap3A_734 = tpu.vector_load %arg11[%swap3A_732, %swap3A_733] {strides = array<i32>} : memref<80x128xf32, #tpu.memory_space<vmem>>, vector<1x16xf32>,
        %swap3A_735 = vector.shape_cast %swap3A_734 : vector<1x16xf32> to vector<16xf32>
        %swap3A_736 = vector.shape_cast %mul3A_731 : vector<16xf32> to vector<1x16xf32>
        tpu.vector_store %arg11[%swap3A_732, %swap3A_733], %swap3A_736 {strides = array<i32>} : memref<80x128xf32, #tpu.memory_space<vmem>>, vector<1x16xf32>,
        %broadcast_in_dim3A_737 = arith.constant 8 : i32
        %broadcast_in_dim3A_738 = vector.broadcast %broadcast_in_dim3A_737 : i32 to vector<16x1xi32>
        %gather3A_739 = vector.shape_cast %broadcast_in_dim3A_738 : vector<16x1xi32> to vector<16xi32>
        %gather3A_740 = tpu.dynamic_gather %get3A_35[%gather3A_739] in [0] : vector<16xf32>, vector<16xi32> -> vector<16xf32>
        %mul3A_741 = arith.constant 16 : i32
        %mul3A_742 = arith.muli %scan3A_31, %mul3A_741 : i32
        %add3A_743 = arith.constant 8 : i32
        %add3A_744 = arith.addi %mul3A_742, %add3A_743 : i32
        %get3A_745 = arith.index_cast %add3A_744 : i32 to index
        %get3A_746 = arith.constant 0 : index
        %get3A_747 = tpu.vector_load %arg11[%get3A_745, %get3A_746] {strides = array<i32>} : memref<80x128xf32, #tpu.memory_space<vmem>>, vector<1x16xf32>,
        %get3A_748 = vector.shape_cast %get3A_747 : vector<1x16xf32> to vector<16xf32>
        %mul3A_749 = arith.mulf %get3A_748, %gather3A_740 : vector<16xf32>
        %swap3A_750 = arith.index_cast %add3A_744 : i32 to index
        %swap3A_751 = arith.constant 0 : index
        %swap3A_752 = tpu.vector_load %arg11[%swap3A_750, %swap3A_751] {strides = array<i32>} : memref<80x128xf32, #tpu.memory_space<vmem>>, vector<1x16xf32>,
        %swap3A_753 = vector.shape_cast %swap3A_752 : vector<1x16xf32> to vector<16xf32>
        %swap3A_754 = vector.shape_cast %mul3A_749 : vector<16xf32> to vector<1x16xf32>
        tpu.vector_store %arg11[%swap3A_750, %swap3A_751], %swap3A_754 {strides = array<i32>} : memref<80x128xf32, #tpu.memory_space<vmem>>, vector<1x16xf32>,
        %get3A_755 = arith.index_cast %add3A_744 : i32 to index
        %get3A_756 = arith.constant 16 : index
        %get3A_757 = tpu.vector_load %arg11[%get3A_755, %get3A_756] {strides = array<i32>} : memref<80x128xf32, #tpu.memory_space<vmem>>, vector<1x16xf32>,
        %get3A_758 = vector.shape_cast %get3A_757 : vector<1x16xf32> to vector<16xf32>
        %mul3A_759 = arith.mulf %get3A_758, %gather3A_740 : vector<16xf32>
        %swap3A_760 = arith.index_cast %add3A_744 : i32 to index
        %swap3A_761 = arith.constant 16 : index
        %swap3A_762 = tpu.vector_load %arg11[%swap3A_760, %swap3A_761] {strides = array<i32>} : memref<80x128xf32, #tpu.memory_space<vmem>>, vector<1x16xf32>,
        %swap3A_763 = vector.shape_cast %swap3A_762 : vector<1x16xf32> to vector<16xf32>
        %swap3A_764 = vector.shape_cast %mul3A_759 : vector<16xf32> to vector<1x16xf32>
        tpu.vector_store %arg11[%swap3A_760, %swap3A_761], %swap3A_764 {strides = array<i32>} : memref<80x128xf32, #tpu.memory_space<vmem>>, vector<1x16xf32>,
        %get3A_765 = arith.index_cast %add3A_744 : i32 to index
        %get3A_766 = arith.constant 32 : index
        %get3A_767 = tpu.vector_load %arg11[%get3A_765, %get3A_766] {strides = array<i32>} : memref<80x128xf32, #tpu.memory_space<vmem>>, vector<1x16xf32>,
        %get3A_768 = vector.shape_cast %get3A_767 : vector<1x16xf32> to vector<16xf32>
        %mul3A_769 = arith.mulf %get3A_768, %gather3A_740 : vector<16xf32>
        %swap3A_770 = arith.index_cast %add3A_744 : i32 to index
        %swap3A_771 = arith.constant 32 : index
        %swap3A_772 = tpu.vector_load %arg11[%swap3A_770, %swap3A_771] {strides = array<i32>} : memref<80x128xf32, #tpu.memory_space<vmem>>, vector<1x16xf32>,
        %swap3A_773 = vector.shape_cast %swap3A_772 : vector<1x16xf32> to vector<16xf32>
        %swap3A_774 = vector.shape_cast %mul3A_769 : vector<16xf32> to vector<1x16xf32>
        tpu.vector_store %arg11[%swap3A_770, %swap3A_771], %swap3A_774 {strides = array<i32>} : memref<80x128xf32, #tpu.memory_space<vmem>>, vector<1x16xf32>,
        %get3A_775 = arith.index_cast %add3A_744 : i32 to index
        %get3A_776 = arith.constant 48 : index
        %get3A_777 = tpu.vector_load %arg11[%get3A_775, %get3A_776] {strides = array<i32>} : memref<80x128xf32, #tpu.memory_space<vmem>>, vector<1x16xf32>,
        %get3A_778 = vector.shape_cast %get3A_777 : vector<1x16xf32> to vector<16xf32>
        %mul3A_779 = arith.mulf %get3A_778, %gather3A_740 : vector<16xf32>
        %swap3A_780 = arith.index_cast %add3A_744 : i32 to index
        %swap3A_781 = arith.constant 48 : index
        %swap3A_782 = tpu.vector_load %arg11[%swap3A_780, %swap3A_781] {strides = array<i32>} : memref<80x128xf32, #tpu.memory_space<vmem>>, vector<1x16xf32>,
        %swap3A_783 = vector.shape_cast %swap3A_782 : vector<1x16xf32> to vector<16xf32>
        %swap3A_784 = vector.shape_cast %mul3A_779 : vector<16xf32> to vector<1x16xf32>
        tpu.vector_store %arg11[%swap3A_780, %swap3A_781], %swap3A_784 {strides = array<i32>} : memref<80x128xf32, #tpu.memory_space<vmem>>, vector<1x16xf32>,
        %get3A_785 = arith.index_cast %add3A_744 : i32 to index
        %get3A_786 = arith.constant 64 : index
        %get3A_787 = tpu.vector_load %arg11[%get3A_785, %get3A_786] {strides = array<i32>} : memref<80x128xf32, #tpu.memory_space<vmem>>, vector<1x16xf32>,
        %get3A_788 = vector.shape_cast %get3A_787 : vector<1x16xf32> to vector<16xf32>
        %mul3A_789 = arith.mulf %get3A_788, %gather3A_740 : vector<16xf32>
        %swap3A_790 = arith.index_cast %add3A_744 : i32 to index
        %swap3A_791 = arith.constant 64 : index
        %swap3A_792 = tpu.vector_load %arg11[%swap3A_790, %swap3A_791] {strides = array<i32>} : memref<80x128xf32, #tpu.memory_space<vmem>>, vector<1x16xf32>,
        %swap3A_793 = vector.shape_cast %swap3A_792 : vector<1x16xf32> to vector<16xf32>
        %swap3A_794 = vector.shape_cast %mul3A_789 : vector<16xf32> to vector<1x16xf32>
        tpu.vector_store %arg11[%swap3A_790, %swap3A_791], %swap3A_794 {strides = array<i32>} : memref<80x128xf32, #tpu.memory_space<vmem>>, vector<1x16xf32>,
        %get3A_795 = arith.index_cast %add3A_744 : i32 to index
        %get3A_796 = arith.constant 80 : index
        %get3A_797 = tpu.vector_load %arg11[%get3A_795, %get3A_796] {strides = array<i32>} : memref<80x128xf32, #tpu.memory_space<vmem>>, vector<1x16xf32>,
        %get3A_798 = vector.shape_cast %get3A_797 : vector<1x16xf32> to vector<16xf32>
        %mul3A_799 = arith.mulf %get3A_798, %gather3A_740 : vector<16xf32>
        %swap3A_800 = arith.index_cast %add3A_744 : i32 to index
        %swap3A_801 = arith.constant 80 : index
        %swap3A_802 = tpu.vector_load %arg11[%swap3A_800, %swap3A_801] {strides = array<i32>} : memref<80x128xf32, #tpu.memory_space<vmem>>, vector<1x16xf32>,
        %swap3A_803 = vector.shape_cast %swap3A_802 : vector<1x16xf32> to vector<16xf32>
        %swap3A_804 = vector.shape_cast %mul3A_799 : vector<16xf32> to vector<1x16xf32>
        tpu.vector_store %arg11[%swap3A_800, %swap3A_801], %swap3A_804 {strides = array<i32>} : memref<80x128xf32, #tpu.memory_space<vmem>>, vector<1x16xf32>,
        %get3A_805 = arith.index_cast %add3A_744 : i32 to index
        %get3A_806 = arith.constant 96 : index
        %get3A_807 = tpu.vector_load %arg11[%get3A_805, %get3A_806] {strides = array<i32>} : memref<80x128xf32, #tpu.memory_space<vmem>>, vector<1x16xf32>,
        %get3A_808 = vector.shape_cast %get3A_807 : vector<1x16xf32> to vector<16xf32>
        %mul3A_809 = arith.mulf %get3A_808, %gather3A_740 : vector<16xf32>
        %swap3A_810 = arith.index_cast %add3A_744 : i32 to index
        %swap3A_811 = arith.constant 96 : index
        %swap3A_812 = tpu.vector_load %arg11[%swap3A_810, %swap3A_811] {strides = array<i32>} : memref<80x128xf32, #tpu.memory_space<vmem>>, vector<1x16xf32>,
        %swap3A_813 = vector.shape_cast %swap3A_812 : vector<1x16xf32> to vector<16xf32>
        %swap3A_814 = vector.shape_cast %mul3A_809 : vector<16xf32> to vector<1x16xf32>
        tpu.vector_store %arg11[%swap3A_810, %swap3A_811], %swap3A_814 {strides = array<i32>} : memref<80x128xf32, #tpu.memory_space<vmem>>, vector<1x16xf32>,
        %get3A_815 = arith.index_cast %add3A_744 : i32 to index
        %get3A_816 = arith.constant 112 : index
        %get3A_817 = tpu.vector_load %arg11[%get3A_815, %get3A_816] {strides = array<i32>} : memref<80x128xf32, #tpu.memory_space<vmem>>, vector<1x16xf32>,
        %get3A_818 = vector.shape_cast %get3A_817 : vector<1x16xf32> to vector<16xf32>
        %mul3A_819 = arith.mulf %get3A_818, %gather3A_740 : vector<16xf32>
        %swap3A_820 = arith.index_cast %add3A_744 : i32 to index
        %swap3A_821 = arith.constant 112 : index
        %swap3A_822 = tpu.vector_load %arg11[%swap3A_820, %swap3A_821] {strides = array<i32>} : memref<80x128xf32, #tpu.memory_space<vmem>>, vector<1x16xf32>,
        %swap3A_823 = vector.shape_cast %swap3A_822 : vector<1x16xf32> to vector<16xf32>
        %swap3A_824 = vector.shape_cast %mul3A_819 : vector<16xf32> to vector<1x16xf32>
        tpu.vector_store %arg11[%swap3A_820, %swap3A_821], %swap3A_824 {strides = array<i32>} : memref<80x128xf32, #tpu.memory_space<vmem>>, vector<1x16xf32>,
        %broadcast_in_dim3A_825 = arith.constant 9 : i32
        %broadcast_in_dim3A_826 = vector.broadcast %broadcast_in_dim3A_825 : i32 to vector<16x1xi32>
        %gather3A_827 = vector.shape_cast %broadcast_in_dim3A_826 : vector<16x1xi32> to vector<16xi32>
        %gather3A_828 = tpu.dynamic_gather %get3A_35[%gather3A_827] in [0] : vector<16xf32>, vector<16xi32> -> vector<16xf32>
        %mul3A_829 = arith.constant 16 : i32
        %mul3A_830 = arith.muli %scan3A_31, %mul3A_829 : i32
        %add3A_831 = arith.constant 9 : i32
        %add3A_832 = arith.addi %mul3A_830, %add3A_831 : i32
        %get3A_833 = arith.index_cast %add3A_832 : i32 to index
        %get3A_834 = arith.constant 0 : index
        %get3A_835 = tpu.vector_load %arg11[%get3A_833, %get3A_834] {strides = array<i32>} : memref<80x128xf32, #tpu.memory_space<vmem>>, vector<1x16xf32>,
        %get3A_836 = vector.shape_cast %get3A_835 : vector<1x16xf32> to vector<16xf32>
        %mul3A_837 = arith.mulf %get3A_836, %gather3A_828 : vector<16xf32>
        %swap3A_838 = arith.index_cast %add3A_832 : i32 to index
        %swap3A_839 = arith.constant 0 : index
        %swap3A_840 = tpu.vector_load %arg11[%swap3A_838, %swap3A_839] {strides = array<i32>} : memref<80x128xf32, #tpu.memory_space<vmem>>, vector<1x16xf32>,
        %swap3A_841 = vector.shape_cast %swap3A_840 : vector<1x16xf32> to vector<16xf32>
        %swap3A_842 = vector.shape_cast %mul3A_837 : vector<16xf32> to vector<1x16xf32>
        tpu.vector_store %arg11[%swap3A_838, %swap3A_839], %swap3A_842 {strides = array<i32>} : memref<80x128xf32, #tpu.memory_space<vmem>>, vector<1x16xf32>,
        %get3A_843 = arith.index_cast %add3A_832 : i32 to index
        %get3A_844 = arith.constant 16 : index
        %get3A_845 = tpu.vector_load %arg11[%get3A_843, %get3A_844] {strides = array<i32>} : memref<80x128xf32, #tpu.memory_space<vmem>>, vector<1x16xf32>,
        %get3A_846 = vector.shape_cast %get3A_845 : vector<1x16xf32> to vector<16xf32>
        %mul3A_847 = arith.mulf %get3A_846, %gather3A_828 : vector<16xf32>
        %swap3A_848 = arith.index_cast %add3A_832 : i32 to index
        %swap3A_849 = arith.constant 16 : index
        %swap3A_850 = tpu.vector_load %arg11[%swap3A_848, %swap3A_849] {strides = array<i32>} : memref<80x128xf32, #tpu.memory_space<vmem>>, vector<1x16xf32>,
        %swap3A_851 = vector.shape_cast %swap3A_850 : vector<1x16xf32> to vector<16xf32>
        %swap3A_852 = vector.shape_cast %mul3A_847 : vector<16xf32> to vector<1x16xf32>
        tpu.vector_store %arg11[%swap3A_848, %swap3A_849], %swap3A_852 {strides = array<i32>} : memref<80x128xf32, #tpu.memory_space<vmem>>, vector<1x16xf32>,
        %get3A_853 = arith.index_cast %add3A_832 : i32 to index
        %get3A_854 = arith.constant 32 : index
        %get3A_855 = tpu.vector_load %arg11[%get3A_853, %get3A_854] {strides = array<i32>} : memref<80x128xf32, #tpu.memory_space<vmem>>, vector<1x16xf32>,
        %get3A_856 = vector.shape_cast %get3A_855 : vector<1x16xf32> to vector<16xf32>
        %mul3A_857 = arith.mulf %get3A_856, %gather3A_828 : vector<16xf32>
        %swap3A_858 = arith.index_cast %add3A_832 : i32 to index
        %swap3A_859 = arith.constant 32 : index
        %swap3A_860 = tpu.vector_load %arg11[%swap3A_858, %swap3A_859] {strides = array<i32>} : memref<80x128xf32, #tpu.memory_space<vmem>>, vector<1x16xf32>,
        %swap3A_861 = vector.shape_cast %swap3A_860 : vector<1x16xf32> to vector<16xf32>
        %swap3A_862 = vector.shape_cast %mul3A_857 : vector<16xf32> to vector<1x16xf32>
        tpu.vector_store %arg11[%swap3A_858, %swap3A_859], %swap3A_862 {strides = array<i32>} : memref<80x128xf32, #tpu.memory_space<vmem>>, vector<1x16xf32>,
        %get3A_863 = arith.index_cast %add3A_832 : i32 to index
        %get3A_864 = arith.constant 48 : index
        %get3A_865 = tpu.vector_load %arg11[%get3A_863, %get3A_864] {strides = array<i32>} : memref<80x128xf32, #tpu.memory_space<vmem>>, vector<1x16xf32>,
        %get3A_866 = vector.shape_cast %get3A_865 : vector<1x16xf32> to vector<16xf32>
        %mul3A_867 = arith.mulf %get3A_866, %gather3A_828 : vector<16xf32>
        %swap3A_868 = arith.index_cast %add3A_832 : i32 to index
        %swap3A_869 = arith.constant 48 : index
        %swap3A_870 = tpu.vector_load %arg11[%swap3A_868, %swap3A_869] {strides = array<i32>} : memref<80x128xf32, #tpu.memory_space<vmem>>, vector<1x16xf32>,
        %swap3A_871 = vector.shape_cast %swap3A_870 : vector<1x16xf32> to vector<16xf32>
        %swap3A_872 = vector.shape_cast %mul3A_867 : vector<16xf32> to vector<1x16xf32>
        tpu.vector_store %arg11[%swap3A_868, %swap3A_869], %swap3A_872 {strides = array<i32>} : memref<80x128xf32, #tpu.memory_space<vmem>>, vector<1x16xf32>,
        %get3A_873 = arith.index_cast %add3A_832 : i32 to index
        %get3A_874 = arith.constant 64 : index
        %get3A_875 = tpu.vector_load %arg11[%get3A_873, %get3A_874] {strides = array<i32>} : memref<80x128xf32, #tpu.memory_space<vmem>>, vector<1x16xf32>,
        %get3A_876 = vector.shape_cast %get3A_875 : vector<1x16xf32> to vector<16xf32>
        %mul3A_877 = arith.mulf %get3A_876, %gather3A_828 : vector<16xf32>
        %swap3A_878 = arith.index_cast %add3A_832 : i32 to index
        %swap3A_879 = arith.constant 64 : index
        %swap3A_880 = tpu.vector_load %arg11[%swap3A_878, %swap3A_879] {strides = array<i32>} : memref<80x128xf32, #tpu.memory_space<vmem>>, vector<1x16xf32>,
        %swap3A_881 = vector.shape_cast %swap3A_880 : vector<1x16xf32> to vector<16xf32>
        %swap3A_882 = vector.shape_cast %mul3A_877 : vector<16xf32> to vector<1x16xf32>
        tpu.vector_store %arg11[%swap3A_878, %swap3A_879], %swap3A_882 {strides = array<i32>} : memref<80x128xf32, #tpu.memory_space<vmem>>, vector<1x16xf32>,
        %get3A_883 = arith.index_cast %add3A_832 : i32 to index
        %get3A_884 = arith.constant 80 : index
        %get3A_885 = tpu.vector_load %arg11[%get3A_883, %get3A_884] {strides = array<i32>} : memref<80x128xf32, #tpu.memory_space<vmem>>, vector<1x16xf32>,
        %get3A_886 = vector.shape_cast %get3A_885 : vector<1x16xf32> to vector<16xf32>
        %mul3A_887 = arith.mulf %get3A_886, %gather3A_828 : vector<16xf32>
        %swap3A_888 = arith.index_cast %add3A_832 : i32 to index
        %swap3A_889 = arith.constant 80 : index
        %swap3A_890 = tpu.vector_load %arg11[%swap3A_888, %swap3A_889] {strides = array<i32>} : memref<80x128xf32, #tpu.memory_space<vmem>>, vector<1x16xf32>,
        %swap3A_891 = vector.shape_cast %swap3A_890 : vector<1x16xf32> to vector<16xf32>
        %swap3A_892 = vector.shape_cast %mul3A_887 : vector<16xf32> to vector<1x16xf32>
        tpu.vector_store %arg11[%swap3A_888, %swap3A_889], %swap3A_892 {strides = array<i32>} : memref<80x128xf32, #tpu.memory_space<vmem>>, vector<1x16xf32>,
        %get3A_893 = arith.index_cast %add3A_832 : i32 to index
        %get3A_894 = arith.constant 96 : index
        %get3A_895 = tpu.vector_load %arg11[%get3A_893, %get3A_894] {strides = array<i32>} : memref<80x128xf32, #tpu.memory_space<vmem>>, vector<1x16xf32>,
        %get3A_896 = vector.shape_cast %get3A_895 : vector<1x16xf32> to vector<16xf32>
        %mul3A_897 = arith.mulf %get3A_896, %gather3A_828 : vector<16xf32>
        %swap3A_898 = arith.index_cast %add3A_832 : i32 to index
        %swap3A_899 = arith.constant 96 : index
        %swap3A_900 = tpu.vector_load %arg11[%swap3A_898, %swap3A_899] {strides = array<i32>} : memref<80x128xf32, #tpu.memory_space<vmem>>, vector<1x16xf32>,
        %swap3A_901 = vector.shape_cast %swap3A_900 : vector<1x16xf32> to vector<16xf32>
        %swap3A_902 = vector.shape_cast %mul3A_897 : vector<16xf32> to vector<1x16xf32>
        tpu.vector_store %arg11[%swap3A_898, %swap3A_899], %swap3A_902 {strides = array<i32>} : memref<80x128xf32, #tpu.memory_space<vmem>>, vector<1x16xf32>,
        %get3A_903 = arith.index_cast %add3A_832 : i32 to index
        %get3A_904 = arith.constant 112 : index
        %get3A_905 = tpu.vector_load %arg11[%get3A_903, %get3A_904] {strides = array<i32>} : memref<80x128xf32, #tpu.memory_space<vmem>>, vector<1x16xf32>,
        %get3A_906 = vector.shape_cast %get3A_905 : vector<1x16xf32> to vector<16xf32>
        %mul3A_907 = arith.mulf %get3A_906, %gather3A_828 : vector<16xf32>
        %swap3A_908 = arith.index_cast %add3A_832 : i32 to index
        %swap3A_909 = arith.constant 112 : index
        %swap3A_910 = tpu.vector_load %arg11[%swap3A_908, %swap3A_909] {strides = array<i32>} : memref<80x128xf32, #tpu.memory_space<vmem>>, vector<1x16xf32>,
        %swap3A_911 = vector.shape_cast %swap3A_910 : vector<1x16xf32> to vector<16xf32>
        %swap3A_912 = vector.shape_cast %mul3A_907 : vector<16xf32> to vector<1x16xf32>
        tpu.vector_store %arg11[%swap3A_908, %swap3A_909], %swap3A_912 {strides = array<i32>} : memref<80x128xf32, #tpu.memory_space<vmem>>, vector<1x16xf32>,
        %broadcast_in_dim3A_913 = arith.constant 10 : i32
        %broadcast_in_dim3A_914 = vector.broadcast %broadcast_in_dim3A_913 : i32 to vector<16x1xi32>
        %gather3A_915 = vector.shape_cast %broadcast_in_dim3A_914 : vector<16x1xi32> to vector<16xi32>
        %gather3A_916 = tpu.dynamic_gather %get3A_35[%gather3A_915] in [0] : vector<16xf32>, vector<16xi32> -> vector<16xf32>
        %mul3A_917 = arith.constant 16 : i32
        %mul3A_918 = arith.muli %scan3A_31, %mul3A_917 : i32
        %add3A_919 = arith.constant 10 : i32
        %add3A_920 = arith.addi %mul3A_918, %add3A_919 : i32
        %get3A_921 = arith.index_cast %add3A_920 : i32 to index
        %get3A_922 = arith.constant 0 : index
        %get3A_923 = tpu.vector_load %arg11[%get3A_921, %get3A_922] {strides = array<i32>} : memref<80x128xf32, #tpu.memory_space<vmem>>, vector<1x16xf32>,
        %get3A_924 = vector.shape_cast %get3A_923 : vector<1x16xf32> to vector<16xf32>
        %mul3A_925 = arith.mulf %get3A_924, %gather3A_916 : vector<16xf32>
        %swap3A_926 = arith.index_cast %add3A_920 : i32 to index
        %swap3A_927 = arith.constant 0 : index
        %swap3A_928 = tpu.vector_load %arg11[%swap3A_926, %swap3A_927] {strides = array<i32>} : memref<80x128xf32, #tpu.memory_space<vmem>>, vector<1x16xf32>,
        %swap3A_929 = vector.shape_cast %swap3A_928 : vector<1x16xf32> to vector<16xf32>
        %swap3A_930 = vector.shape_cast %mul3A_925 : vector<16xf32> to vector<1x16xf32>
        tpu.vector_store %arg11[%swap3A_926, %swap3A_927], %swap3A_930 {strides = array<i32>} : memref<80x128xf32, #tpu.memory_space<vmem>>, vector<1x16xf32>,
        %get3A_931 = arith.index_cast %add3A_920 : i32 to index
        %get3A_932 = arith.constant 16 : index
        %get3A_933 = tpu.vector_load %arg11[%get3A_931, %get3A_932] {strides = array<i32>} : memref<80x128xf32, #tpu.memory_space<vmem>>, vector<1x16xf32>,
        %get3A_934 = vector.shape_cast %get3A_933 : vector<1x16xf32> to vector<16xf32>
        %mul3A_935 = arith.mulf %get3A_934, %gather3A_916 : vector<16xf32>
        %swap3A_936 = arith.index_cast %add3A_920 : i32 to index
        %swap3A_937 = arith.constant 16 : index
        %swap3A_938 = tpu.vector_load %arg11[%swap3A_936, %swap3A_937] {strides = array<i32>} : memref<80x128xf32, #tpu.memory_space<vmem>>, vector<1x16xf32>,
        %swap3A_939 = vector.shape_cast %swap3A_938 : vector<1x16xf32> to vector<16xf32>
        %swap3A_940 = vector.shape_cast %mul3A_935 : vector<16xf32> to vector<1x16xf32>
        tpu.vector_store %arg11[%swap3A_936, %swap3A_937], %swap3A_940 {strides = array<i32>} : memref<80x128xf32, #tpu.memory_space<vmem>>, vector<1x16xf32>,
        %get3A_941 = arith.index_cast %add3A_920 : i32 to index
        %get3A_942 = arith.constant 32 : index
        %get3A_943 = tpu.vector_load %arg11[%get3A_941, %get3A_942] {strides = array<i32>} : memref<80x128xf32, #tpu.memory_space<vmem>>, vector<1x16xf32>,
        %get3A_944 = vector.shape_cast %get3A_943 : vector<1x16xf32> to vector<16xf32>
        %mul3A_945 = arith.mulf %get3A_944, %gather3A_916 : vector<16xf32>
        %swap3A_946 = arith.index_cast %add3A_920 : i32 to index
        %swap3A_947 = arith.constant 32 : index
        %swap3A_948 = tpu.vector_load %arg11[%swap3A_946, %swap3A_947] {strides = array<i32>} : memref<80x128xf32, #tpu.memory_space<vmem>>, vector<1x16xf32>,
        %swap3A_949 = vector.shape_cast %swap3A_948 : vector<1x16xf32> to vector<16xf32>
        %swap3A_950 = vector.shape_cast %mul3A_945 : vector<16xf32> to vector<1x16xf32>
        tpu.vector_store %arg11[%swap3A_946, %swap3A_947], %swap3A_950 {strides = array<i32>} : memref<80x128xf32, #tpu.memory_space<vmem>>, vector<1x16xf32>,
        %get3A_951 = arith.index_cast %add3A_920 : i32 to index
        %get3A_952 = arith.constant 48 : index
        %get3A_953 = tpu.vector_load %arg11[%get3A_951, %get3A_952] {strides = array<i32>} : memref<80x128xf32, #tpu.memory_space<vmem>>, vector<1x16xf32>,
        %get3A_954 = vector.shape_cast %get3A_953 : vector<1x16xf32> to vector<16xf32>
        %mul3A_955 = arith.mulf %get3A_954, %gather3A_916 : vector<16xf32>
        %swap3A_956 = arith.index_cast %add3A_920 : i32 to index
        %swap3A_957 = arith.constant 48 : index
        %swap3A_958 = tpu.vector_load %arg11[%swap3A_956, %swap3A_957] {strides = array<i32>} : memref<80x128xf32, #tpu.memory_space<vmem>>, vector<1x16xf32>,
        %swap3A_959 = vector.shape_cast %swap3A_958 : vector<1x16xf32> to vector<16xf32>
        %swap3A_960 = vector.shape_cast %mul3A_955 : vector<16xf32> to vector<1x16xf32>
        tpu.vector_store %arg11[%swap3A_956, %swap3A_957], %swap3A_960 {strides = array<i32>} : memref<80x128xf32, #tpu.memory_space<vmem>>, vector<1x16xf32>,
        %get3A_961 = arith.index_cast %add3A_920 : i32 to index
        %get3A_962 = arith.constant 64 : index
        %get3A_963 = tpu.vector_load %arg11[%get3A_961, %get3A_962] {strides = array<i32>} : memref<80x128xf32, #tpu.memory_space<vmem>>, vector<1x16xf32>,
        %get3A_964 = vector.shape_cast %get3A_963 : vector<1x16xf32> to vector<16xf32>
        %mul3A_965 = arith.mulf %get3A_964, %gather3A_916 : vector<16xf32>
        %swap3A_966 = arith.index_cast %add3A_920 : i32 to index
        %swap3A_967 = arith.constant 64 : index
        %swap3A_968 = tpu.vector_load %arg11[%swap3A_966, %swap3A_967] {strides = array<i32>} : memref<80x128xf32, #tpu.memory_space<vmem>>, vector<1x16xf32>,
        %swap3A_969 = vector.shape_cast %swap3A_968 : vector<1x16xf32> to vector<16xf32>
        %swap3A_970 = vector.shape_cast %mul3A_965 : vector<16xf32> to vector<1x16xf32>
        tpu.vector_store %arg11[%swap3A_966, %swap3A_967], %swap3A_970 {strides = array<i32>} : memref<80x128xf32, #tpu.memory_space<vmem>>, vector<1x16xf32>,
        %get3A_971 = arith.index_cast %add3A_920 : i32 to index
        %get3A_972 = arith.constant 80 : index
        %get3A_973 = tpu.vector_load %arg11[%get3A_971, %get3A_972] {strides = array<i32>} : memref<80x128xf32, #tpu.memory_space<vmem>>, vector<1x16xf32>,
        %get3A_974 = vector.shape_cast %get3A_973 : vector<1x16xf32> to vector<16xf32>
        %mul3A_975 = arith.mulf %get3A_974, %gather3A_916 : vector<16xf32>
        %swap3A_976 = arith.index_cast %add3A_920 : i32 to index
        %swap3A_977 = arith.constant 80 : index
        %swap3A_978 = tpu.vector_load %arg11[%swap3A_976, %swap3A_977] {strides = array<i32>} : memref<80x128xf32, #tpu.memory_space<vmem>>, vector<1x16xf32>,
        %swap3A_979 = vector.shape_cast %swap3A_978 : vector<1x16xf32> to vector<16xf32>
        %swap3A_980 = vector.shape_cast %mul3A_975 : vector<16xf32> to vector<1x16xf32>
        tpu.vector_store %arg11[%swap3A_976, %swap3A_977], %swap3A_980 {strides = array<i32>} : memref<80x128xf32, #tpu.memory_space<vmem>>, vector<1x16xf32>,
        %get3A_981 = arith.index_cast %add3A_920 : i32 to index
        %get3A_982 = arith.constant 96 : index
        %get3A_983 = tpu.vector_load %arg11[%get3A_981, %get3A_982] {strides = array<i32>} : memref<80x128xf32, #tpu.memory_space<vmem>>, vector<1x16xf32>,
        %get3A_984 = vector.shape_cast %get3A_983 : vector<1x16xf32> to vector<16xf32>
        %mul3A_985 = arith.mulf %get3A_984, %gather3A_916 : vector<16xf32>
        %swap3A_986 = arith.index_cast %add3A_920 : i32 to index
        %swap3A_987 = arith.constant 96 : index
        %swap3A_988 = tpu.vector_load %arg11[%swap3A_986, %swap3A_987] {strides = array<i32>} : memref<80x128xf32, #tpu.memory_space<vmem>>, vector<1x16xf32>,
        %swap3A_989 = vector.shape_cast %swap3A_988 : vector<1x16xf32> to vector<16xf32>
        %swap3A_990 = vector.shape_cast %mul3A_985 : vector<16xf32> to vector<1x16xf32>
        tpu.vector_store %arg11[%swap3A_986, %swap3A_987], %swap3A_990 {strides = array<i32>} : memref<80x128xf32, #tpu.memory_space<vmem>>, vector<1x16xf32>,
        %get3A_991 = arith.index_cast %add3A_920 : i32 to index
        %get3A_992 = arith.constant 112 : index
        %get3A_993 = tpu.vector_load %arg11[%get3A_991, %get3A_992] {strides = array<i32>} : memref<80x128xf32, #tpu.memory_space<vmem>>, vector<1x16xf32>,
        %get3A_994 = vector.shape_cast %get3A_993 : vector<1x16xf32> to vector<16xf32>
        %mul3A_995 = arith.mulf %get3A_994, %gather3A_916 : vector<16xf32>
        %swap3A_996 = arith.index_cast %add3A_920 : i32 to index
        %swap3A_997 = arith.constant 112 : index
        %swap3A_998 = tpu.vector_load %arg11[%swap3A_996, %swap3A_997] {strides = array<i32>} : memref<80x128xf32, #tpu.memory_space<vmem>>, vector<1x16xf32>,
        %swap3A_999 = vector.shape_cast %swap3A_998 : vector<1x16xf32> to vector<16xf32>
        %swap3A_1000 = vector.shape_cast %mul3A_995 : vector<16xf32> to vector<1x16xf32>
        tpu.vector_store %arg11[%swap3A_996, %swap3A_997], %swap3A_1000 {strides = array<i32>} : memref<80x128xf32, #tpu.memory_space<vmem>>, vector<1x16xf32>,
        %broadcast_in_dim3A_1001 = arith.constant 11 : i32
        %broadcast_in_dim3A_1002 = vector.broadcast %broadcast_in_dim3A_1001 : i32 to vector<16x1xi32>
        %gather3A_1003 = vector.shape_cast %broadcast_in_dim3A_1002 : vector<16x1xi32> to vector<16xi32>
        %gather3A_1004 = tpu.dynamic_gather %get3A_35[%gather3A_1003] in [0] : vector<16xf32>, vector<16xi32> -> vector<16xf32>
        %mul3A_1005 = arith.constant 16 : i32
        %mul3A_1006 = arith.muli %scan3A_31, %mul3A_1005 : i32
        %add3A_1007 = arith.constant 11 : i32
        %add3A_1008 = arith.addi %mul3A_1006, %add3A_1007 : i32
        %get3A_1009 = arith.index_cast %add3A_1008 : i32 to index
        %get3A_1010 = arith.constant 0 : index
        %get3A_1011 = tpu.vector_load %arg11[%get3A_1009, %get3A_1010] {strides = array<i32>} : memref<80x128xf32, #tpu.memory_space<vmem>>, vector<1x16xf32>,
        %get3A_1012 = vector.shape_cast %get3A_1011 : vector<1x16xf32> to vector<16xf32>
        %mul3A_1013 = arith.mulf %get3A_1012, %gather3A_1004 : vector<16xf32>
        %swap3A_1014 = arith.index_cast %add3A_1008 : i32 to index
        %swap3A_1015 = arith.constant 0 : index
        %swap3A_1016 = tpu.vector_load %arg11[%swap3A_1014, %swap3A_1015] {strides = array<i32>} : memref<80x128xf32, #tpu.memory_space<vmem>>, vector<1x16xf32>,
        %swap3A_1017 = vector.shape_cast %swap3A_1016 : vector<1x16xf32> to vector<16xf32>
        %swap3A_1018 = vector.shape_cast %mul3A_1013 : vector<16xf32> to vector<1x16xf32>
        tpu.vector_store %arg11[%swap3A_1014, %swap3A_1015], %swap3A_1018 {strides = array<i32>} : memref<80x128xf32, #tpu.memory_space<vmem>>, vector<1x16xf32>,
        %get3A_1019 = arith.index_cast %add3A_1008 : i32 to index
        %get3A_1020 = arith.constant 16 : index
        %get3A_1021 = tpu.vector_load %arg11[%get3A_1019, %get3A_1020] {strides = array<i32>} : memref<80x128xf32, #tpu.memory_space<vmem>>, vector<1x16xf32>,
        %get3A_1022 = vector.shape_cast %get3A_1021 : vector<1x16xf32> to vector<16xf32>
        %mul3A_1023 = arith.mulf %get3A_1022, %gather3A_1004 : vector<16xf32>
        %swap3A_1024 = arith.index_cast %add3A_1008 : i32 to index
        %swap3A_1025 = arith.constant 16 : index
        %swap3A_1026 = tpu.vector_load %arg11[%swap3A_1024, %swap3A_1025] {strides = array<i32>} : memref<80x128xf32, #tpu.memory_space<vmem>>, vector<1x16xf32>,
        %swap3A_1027 = vector.shape_cast %swap3A_1026 : vector<1x16xf32> to vector<16xf32>
        %swap3A_1028 = vector.shape_cast %mul3A_1023 : vector<16xf32> to vector<1x16xf32>
        tpu.vector_store %arg11[%swap3A_1024, %swap3A_1025], %swap3A_1028 {strides = array<i32>} : memref<80x128xf32, #tpu.memory_space<vmem>>, vector<1x16xf32>,
        %get3A_1029 = arith.index_cast %add3A_1008 : i32 to index
        %get3A_1030 = arith.constant 32 : index
        %get3A_1031 = tpu.vector_load %arg11[%get3A_1029, %get3A_1030] {strides = array<i32>} : memref<80x128xf32, #tpu.memory_space<vmem>>, vector<1x16xf32>,
        %get3A_1032 = vector.shape_cast %get3A_1031 : vector<1x16xf32> to vector<16xf32>
        %mul3A_1033 = arith.mulf %get3A_1032, %gather3A_1004 : vector<16xf32>
        %swap3A_1034 = arith.index_cast %add3A_1008 : i32 to index
        %swap3A_1035 = arith.constant 32 : index
        %swap3A_1036 = tpu.vector_load %arg11[%swap3A_1034, %swap3A_1035] {strides = array<i32>} : memref<80x128xf32, #tpu.memory_space<vmem>>, vector<1x16xf32>,
        %swap3A_1037 = vector.shape_cast %swap3A_1036 : vector<1x16xf32> to vector<16xf32>
        %swap3A_1038 = vector.shape_cast %mul3A_1033 : vector<16xf32> to vector<1x16xf32>
        tpu.vector_store %arg11[%swap3A_1034, %swap3A_1035], %swap3A_1038 {strides = array<i32>} : memref<80x128xf32, #tpu.memory_space<vmem>>, vector<1x16xf32>,
        %get3A_1039 = arith.index_cast %add3A_1008 : i32 to index
        %get3A_1040 = arith.constant 48 : index
        %get3A_1041 = tpu.vector_load %arg11[%get3A_1039, %get3A_1040] {strides = array<i32>} : memref<80x128xf32, #tpu.memory_space<vmem>>, vector<1x16xf32>,
        %get3A_1042 = vector.shape_cast %get3A_1041 : vector<1x16xf32> to vector<16xf32>
        %mul3A_1043 = arith.mulf %get3A_1042, %gather3A_1004 : vector<16xf32>
        %swap3A_1044 = arith.index_cast %add3A_1008 : i32 to index
        %swap3A_1045 = arith.constant 48 : index
        %swap3A_1046 = tpu.vector_load %arg11[%swap3A_1044, %swap3A_1045] {strides = array<i32>} : memref<80x128xf32, #tpu.memory_space<vmem>>, vector<1x16xf32>,
        %swap3A_1047 = vector.shape_cast %swap3A_1046 : vector<1x16xf32> to vector<16xf32>
        %swap3A_1048 = vector.shape_cast %mul3A_1043 : vector<16xf32> to vector<1x16xf32>
        tpu.vector_store %arg11[%swap3A_1044, %swap3A_1045], %swap3A_1048 {strides = array<i32>} : memref<80x128xf32, #tpu.memory_space<vmem>>, vector<1x16xf32>,
        %get3A_1049 = arith.index_cast %add3A_1008 : i32 to index
        %get3A_1050 = arith.constant 64 : index
        %get3A_1051 = tpu.vector_load %arg11[%get3A_1049, %get3A_1050] {strides = array<i32>} : memref<80x128xf32, #tpu.memory_space<vmem>>, vector<1x16xf32>,
        %get3A_1052 = vector.shape_cast %get3A_1051 : vector<1x16xf32> to vector<16xf32>
        %mul3A_1053 = arith.mulf %get3A_1052, %gather3A_1004 : vector<16xf32>
        %swap3A_1054 = arith.index_cast %add3A_1008 : i32 to index
        %swap3A_1055 = arith.constant 64 : index
        %swap3A_1056 = tpu.vector_load %arg11[%swap3A_1054, %swap3A_1055] {strides = array<i32>} : memref<80x128xf32, #tpu.memory_space<vmem>>, vector<1x16xf32>,
        %swap3A_1057 = vector.shape_cast %swap3A_1056 : vector<1x16xf32> to vector<16xf32>
        %swap3A_1058 = vector.shape_cast %mul3A_1053 : vector<16xf32> to vector<1x16xf32>
        tpu.vector_store %arg11[%swap3A_1054, %swap3A_1055], %swap3A_1058 {strides = array<i32>} : memref<80x128xf32, #tpu.memory_space<vmem>>, vector<1x16xf32>,
        %get3A_1059 = arith.index_cast %add3A_1008 : i32 to index
        %get3A_1060 = arith.constant 80 : index
        %get3A_1061 = tpu.vector_load %arg11[%get3A_1059, %get3A_1060] {strides = array<i32>} : memref<80x128xf32, #tpu.memory_space<vmem>>, vector<1x16xf32>,
        %get3A_1062 = vector.shape_cast %get3A_1061 : vector<1x16xf32> to vector<16xf32>
        %mul3A_1063 = arith.mulf %get3A_1062, %gather3A_1004 : vector<16xf32>
        %swap3A_1064 = arith.index_cast %add3A_1008 : i32 to index
        %swap3A_1065 = arith.constant 80 : index
        %swap3A_1066 = tpu.vector_load %arg11[%swap3A_1064, %swap3A_1065] {strides = array<i32>} : memref<80x128xf32, #tpu.memory_space<vmem>>, vector<1x16xf32>,
        %swap3A_1067 = vector.shape_cast %swap3A_1066 : vector<1x16xf32> to vector<16xf32>
        %swap3A_1068 = vector.shape_cast %mul3A_1063 : vector<16xf32> to vector<1x16xf32>
        tpu.vector_store %arg11[%swap3A_1064, %swap3A_1065], %swap3A_1068 {strides = array<i32>} : memref<80x128xf32, #tpu.memory_space<vmem>>, vector<1x16xf32>,
        %get3A_1069 = arith.index_cast %add3A_1008 : i32 to index
        %get3A_1070 = arith.constant 96 : index
        %get3A_1071 = tpu.vector_load %arg11[%get3A_1069, %get3A_1070] {strides = array<i32>} : memref<80x128xf32, #tpu.memory_space<vmem>>, vector<1x16xf32>,
        %get3A_1072 = vector.shape_cast %get3A_1071 : vector<1x16xf32> to vector<16xf32>
        %mul3A_1073 = arith.mulf %get3A_1072, %gather3A_1004 : vector<16xf32>
        %swap3A_1074 = arith.index_cast %add3A_1008 : i32 to index
        %swap3A_1075 = arith.constant 96 : index
        %swap3A_1076 = tpu.vector_load %arg11[%swap3A_1074, %swap3A_1075] {strides = array<i32>} : memref<80x128xf32, #tpu.memory_space<vmem>>, vector<1x16xf32>,
        %swap3A_1077 = vector.shape_cast %swap3A_1076 : vector<1x16xf32> to vector<16xf32>
        %swap3A_1078 = vector.shape_cast %mul3A_1073 : vector<16xf32> to vector<1x16xf32>
        tpu.vector_store %arg11[%swap3A_1074, %swap3A_1075], %swap3A_1078 {strides = array<i32>} : memref<80x128xf32, #tpu.memory_space<vmem>>, vector<1x16xf32>,
        %get3A_1079 = arith.index_cast %add3A_1008 : i32 to index
        %get3A_1080 = arith.constant 112 : index
        %get3A_1081 = tpu.vector_load %arg11[%get3A_1079, %get3A_1080] {strides = array<i32>} : memref<80x128xf32, #tpu.memory_space<vmem>>, vector<1x16xf32>,
        %get3A_1082 = vector.shape_cast %get3A_1081 : vector<1x16xf32> to vector<16xf32>
        %mul3A_1083 = arith.mulf %get3A_1082, %gather3A_1004 : vector<16xf32>
        %swap3A_1084 = arith.index_cast %add3A_1008 : i32 to index
        %swap3A_1085 = arith.constant 112 : index
        %swap3A_1086 = tpu.vector_load %arg11[%swap3A_1084, %swap3A_1085] {strides = array<i32>} : memref<80x128xf32, #tpu.memory_space<vmem>>, vector<1x16xf32>,
        %swap3A_1087 = vector.shape_cast %swap3A_1086 : vector<1x16xf32> to vector<16xf32>
        %swap3A_1088 = vector.shape_cast %mul3A_1083 : vector<16xf32> to vector<1x16xf32>
        tpu.vector_store %arg11[%swap3A_1084, %swap3A_1085], %swap3A_1088 {strides = array<i32>} : memref<80x128xf32, #tpu.memory_space<vmem>>, vector<1x16xf32>,
        %broadcast_in_dim3A_1089 = arith.constant 12 : i32
        %broadcast_in_dim3A_1090 = vector.broadcast %broadcast_in_dim3A_1089 : i32 to vector<16x1xi32>
        %gather3A_1091 = vector.shape_cast %broadcast_in_dim3A_1090 : vector<16x1xi32> to vector<16xi32>
        %gather3A_1092 = tpu.dynamic_gather %get3A_35[%gather3A_1091] in [0] : vector<16xf32>, vector<16xi32> -> vector<16xf32>
        %mul3A_1093 = arith.constant 16 : i32
        %mul3A_1094 = arith.muli %scan3A_31, %mul3A_1093 : i32
        %add3A_1095 = arith.constant 12 : i32
        %add3A_1096 = arith.addi %mul3A_1094, %add3A_1095 : i32
        %get3A_1097 = arith.index_cast %add3A_1096 : i32 to index
        %get3A_1098 = arith.constant 0 : index
        %get3A_1099 = tpu.vector_load %arg11[%get3A_1097, %get3A_1098] {strides = array<i32>} : memref<80x128xf32, #tpu.memory_space<vmem>>, vector<1x16xf32>,
        %get3A_1100 = vector.shape_cast %get3A_1099 : vector<1x16xf32> to vector<16xf32>
        %mul3A_1101 = arith.mulf %get3A_1100, %gather3A_1092 : vector<16xf32>
        %swap3A_1102 = arith.index_cast %add3A_1096 : i32 to index
        %swap3A_1103 = arith.constant 0 : index
        %swap3A_1104 = tpu.vector_load %arg11[%swap3A_1102, %swap3A_1103] {strides = array<i32>} : memref<80x128xf32, #tpu.memory_space<vmem>>, vector<1x16xf32>,
        %swap3A_1105 = vector.shape_cast %swap3A_1104 : vector<1x16xf32> to vector<16xf32>
        %swap3A_1106 = vector.shape_cast %mul3A_1101 : vector<16xf32> to vector<1x16xf32>
        tpu.vector_store %arg11[%swap3A_1102, %swap3A_1103], %swap3A_1106 {strides = array<i32>} : memref<80x128xf32, #tpu.memory_space<vmem>>, vector<1x16xf32>,
        %get3A_1107 = arith.index_cast %add3A_1096 : i32 to index
        %get3A_1108 = arith.constant 16 : index
        %get3A_1109 = tpu.vector_load %arg11[%get3A_1107, %get3A_1108] {strides = array<i32>} : memref<80x128xf32, #tpu.memory_space<vmem>>, vector<1x16xf32>,
        %get3A_1110 = vector.shape_cast %get3A_1109 : vector<1x16xf32> to vector<16xf32>
        %mul3A_1111 = arith.mulf %get3A_1110, %gather3A_1092 : vector<16xf32>
        %swap3A_1112 = arith.index_cast %add3A_1096 : i32 to index
        %swap3A_1113 = arith.constant 16 : index
        %swap3A_1114 = tpu.vector_load %arg11[%swap3A_1112, %swap3A_1113] {strides = array<i32>} : memref<80x128xf32, #tpu.memory_space<vmem>>, vector<1x16xf32>,
        %swap3A_1115 = vector.shape_cast %swap3A_1114 : vector<1x16xf32> to vector<16xf32>
        %swap3A_1116 = vector.shape_cast %mul3A_1111 : vector<16xf32> to vector<1x16xf32>
        tpu.vector_store %arg11[%swap3A_1112, %swap3A_1113], %swap3A_1116 {strides = array<i32>} : memref<80x128xf32, #tpu.memory_space<vmem>>, vector<1x16xf32>,
        %get3A_1117 = arith.index_cast %add3A_1096 : i32 to index
        %get3A_1118 = arith.constant 32 : index
        %get3A_1119 = tpu.vector_load %arg11[%get3A_1117, %get3A_1118] {strides = array<i32>} : memref<80x128xf32, #tpu.memory_space<vmem>>, vector<1x16xf32>,
        %get3A_1120 = vector.shape_cast %get3A_1119 : vector<1x16xf32> to vector<16xf32>
        %mul3A_1121 = arith.mulf %get3A_1120, %gather3A_1092 : vector<16xf32>
        %swap3A_1122 = arith.index_cast %add3A_1096 : i32 to index
        %swap3A_1123 = arith.constant 32 : index
        %swap3A_1124 = tpu.vector_load %arg11[%swap3A_1122, %swap3A_1123] {strides = array<i32>} : memref<80x128xf32, #tpu.memory_space<vmem>>, vector<1x16xf32>,
        %swap3A_1125 = vector.shape_cast %swap3A_1124 : vector<1x16xf32> to vector<16xf32>
        %swap3A_1126 = vector.shape_cast %mul3A_1121 : vector<16xf32> to vector<1x16xf32>
        tpu.vector_store %arg11[%swap3A_1122, %swap3A_1123], %swap3A_1126 {strides = array<i32>} : memref<80x128xf32, #tpu.memory_space<vmem>>, vector<1x16xf32>,
        %get3A_1127 = arith.index_cast %add3A_1096 : i32 to index
        %get3A_1128 = arith.constant 48 : index
        %get3A_1129 = tpu.vector_load %arg11[%get3A_1127, %get3A_1128] {strides = array<i32>} : memref<80x128xf32, #tpu.memory_space<vmem>>, vector<1x16xf32>,
        %get3A_1130 = vector.shape_cast %get3A_1129 : vector<1x16xf32> to vector<16xf32>
        %mul3A_1131 = arith.mulf %get3A_1130, %gather3A_1092 : vector<16xf32>
        %swap3A_1132 = arith.index_cast %add3A_1096 : i32 to index
        %swap3A_1133 = arith.constant 48 : index
        %swap3A_1134 = tpu.vector_load %arg11[%swap3A_1132, %swap3A_1133] {strides = array<i32>} : memref<80x128xf32, #tpu.memory_space<vmem>>, vector<1x16xf32>,
        %swap3A_1135 = vector.shape_cast %swap3A_1134 : vector<1x16xf32> to vector<16xf32>
        %swap3A_1136 = vector.shape_cast %mul3A_1131 : vector<16xf32> to vector<1x16xf32>
        tpu.vector_store %arg11[%swap3A_1132, %swap3A_1133], %swap3A_1136 {strides = array<i32>} : memref<80x128xf32, #tpu.memory_space<vmem>>, vector<1x16xf32>,
        %get3A_1137 = arith.index_cast %add3A_1096 : i32 to index
        %get3A_1138 = arith.constant 64 : index
        %get3A_1139 = tpu.vector_load %arg11[%get3A_1137, %get3A_1138] {strides = array<i32>} : memref<80x128xf32, #tpu.memory_space<vmem>>, vector<1x16xf32>,
        %get3A_1140 = vector.shape_cast %get3A_1139 : vector<1x16xf32> to vector<16xf32>
        %mul3A_1141 = arith.mulf %get3A_1140, %gather3A_1092 : vector<16xf32>
        %swap3A_1142 = arith.index_cast %add3A_1096 : i32 to index
        %swap3A_1143 = arith.constant 64 : index
        %swap3A_1144 = tpu.vector_load %arg11[%swap3A_1142, %swap3A_1143] {strides = array<i32>} : memref<80x128xf32, #tpu.memory_space<vmem>>, vector<1x16xf32>,
        %swap3A_1145 = vector.shape_cast %swap3A_1144 : vector<1x16xf32> to vector<16xf32>
        %swap3A_1146 = vector.shape_cast %mul3A_1141 : vector<16xf32> to vector<1x16xf32>
        tpu.vector_store %arg11[%swap3A_1142, %swap3A_1143], %swap3A_1146 {strides = array<i32>} : memref<80x128xf32, #tpu.memory_space<vmem>>, vector<1x16xf32>,
        %get3A_1147 = arith.index_cast %add3A_1096 : i32 to index
        %get3A_1148 = arith.constant 80 : index
        %get3A_1149 = tpu.vector_load %arg11[%get3A_1147, %get3A_1148] {strides = array<i32>} : memref<80x128xf32, #tpu.memory_space<vmem>>, vector<1x16xf32>,
        %get3A_1150 = vector.shape_cast %get3A_1149 : vector<1x16xf32> to vector<16xf32>
        %mul3A_1151 = arith.mulf %get3A_1150, %gather3A_1092 : vector<16xf32>
        %swap3A_1152 = arith.index_cast %add3A_1096 : i32 to index
        %swap3A_1153 = arith.constant 80 : index
        %swap3A_1154 = tpu.vector_load %arg11[%swap3A_1152, %swap3A_1153] {strides = array<i32>} : memref<80x128xf32, #tpu.memory_space<vmem>>, vector<1x16xf32>,
        %swap3A_1155 = vector.shape_cast %swap3A_1154 : vector<1x16xf32> to vector<16xf32>
        %swap3A_1156 = vector.shape_cast %mul3A_1151 : vector<16xf32> to vector<1x16xf32>
        tpu.vector_store %arg11[%swap3A_1152, %swap3A_1153], %swap3A_1156 {strides = array<i32>} : memref<80x128xf32, #tpu.memory_space<vmem>>, vector<1x16xf32>,
        %get3A_1157 = arith.index_cast %add3A_1096 : i32 to index
        %get3A_1158 = arith.constant 96 : index
        %get3A_1159 = tpu.vector_load %arg11[%get3A_1157, %get3A_1158] {strides = array<i32>} : memref<80x128xf32, #tpu.memory_space<vmem>>, vector<1x16xf32>,
        %get3A_1160 = vector.shape_cast %get3A_1159 : vector<1x16xf32> to vector<16xf32>
        %mul3A_1161 = arith.mulf %get3A_1160, %gather3A_1092 : vector<16xf32>
        %swap3A_1162 = arith.index_cast %add3A_1096 : i32 to index
        %swap3A_1163 = arith.constant 96 : index
        %swap3A_1164 = tpu.vector_load %arg11[%swap3A_1162, %swap3A_1163] {strides = array<i32>} : memref<80x128xf32, #tpu.memory_space<vmem>>, vector<1x16xf32>,
        %swap3A_1165 = vector.shape_cast %swap3A_1164 : vector<1x16xf32> to vector<16xf32>
        %swap3A_1166 = vector.shape_cast %mul3A_1161 : vector<16xf32> to vector<1x16xf32>
        tpu.vector_store %arg11[%swap3A_1162, %swap3A_1163], %swap3A_1166 {strides = array<i32>} : memref<80x128xf32, #tpu.memory_space<vmem>>, vector<1x16xf32>,
        %get3A_1167 = arith.index_cast %add3A_1096 : i32 to index
        %get3A_1168 = arith.constant 112 : index
        %get3A_1169 = tpu.vector_load %arg11[%get3A_1167, %get3A_1168] {strides = array<i32>} : memref<80x128xf32, #tpu.memory_space<vmem>>, vector<1x16xf32>,
        %get3A_1170 = vector.shape_cast %get3A_1169 : vector<1x16xf32> to vector<16xf32>
        %mul3A_1171 = arith.mulf %get3A_1170, %gather3A_1092 : vector<16xf32>
        %swap3A_1172 = arith.index_cast %add3A_1096 : i32 to index
        %swap3A_1173 = arith.constant 112 : index
        %swap3A_1174 = tpu.vector_load %arg11[%swap3A_1172, %swap3A_1173] {strides = array<i32>} : memref<80x128xf32, #tpu.memory_space<vmem>>, vector<1x16xf32>,
        %swap3A_1175 = vector.shape_cast %swap3A_1174 : vector<1x16xf32> to vector<16xf32>
        %swap3A_1176 = vector.shape_cast %mul3A_1171 : vector<16xf32> to vector<1x16xf32>
        tpu.vector_store %arg11[%swap3A_1172, %swap3A_1173], %swap3A_1176 {strides = array<i32>} : memref<80x128xf32, #tpu.memory_space<vmem>>, vector<1x16xf32>,
        %broadcast_in_dim3A_1177 = arith.constant 13 : i32
        %broadcast_in_dim3A_1178 = vector.broadcast %broadcast_in_dim3A_1177 : i32 to vector<16x1xi32>
        %gather3A_1179 = vector.shape_cast %broadcast_in_dim3A_1178 : vector<16x1xi32> to vector<16xi32>
        %gather3A_1180 = tpu.dynamic_gather %get3A_35[%gather3A_1179] in [0] : vector<16xf32>, vector<16xi32> -> vector<16xf32>
        %mul3A_1181 = arith.constant 16 : i32
        %mul3A_1182 = arith.muli %scan3A_31, %mul3A_1181 : i32
        %add3A_1183 = arith.constant 13 : i32
        %add3A_1184 = arith.addi %mul3A_1182, %add3A_1183 : i32
        %get3A_1185 = arith.index_cast %add3A_1184 : i32 to index
        %get3A_1186 = arith.constant 0 : index
        %get3A_1187 = tpu.vector_load %arg11[%get3A_1185, %get3A_1186] {strides = array<i32>} : memref<80x128xf32, #tpu.memory_space<vmem>>, vector<1x16xf32>,
        %get3A_1188 = vector.shape_cast %get3A_1187 : vector<1x16xf32> to vector<16xf32>
        %mul3A_1189 = arith.mulf %get3A_1188, %gather3A_1180 : vector<16xf32>
        %swap3A_1190 = arith.index_cast %add3A_1184 : i32 to index
        %swap3A_1191 = arith.constant 0 : index
        %swap3A_1192 = tpu.vector_load %arg11[%swap3A_1190, %swap3A_1191] {strides = array<i32>} : memref<80x128xf32, #tpu.memory_space<vmem>>, vector<1x16xf32>,
        %swap3A_1193 = vector.shape_cast %swap3A_1192 : vector<1x16xf32> to vector<16xf32>
        %swap3A_1194 = vector.shape_cast %mul3A_1189 : vector<16xf32> to vector<1x16xf32>
        tpu.vector_store %arg11[%swap3A_1190, %swap3A_1191], %swap3A_1194 {strides = array<i32>} : memref<80x128xf32, #tpu.memory_space<vmem>>, vector<1x16xf32>,
        %get3A_1195 = arith.index_cast %add3A_1184 : i32 to index
        %get3A_1196 = arith.constant 16 : index
        %get3A_1197 = tpu.vector_load %arg11[%get3A_1195, %get3A_1196] {strides = array<i32>} : memref<80x128xf32, #tpu.memory_space<vmem>>, vector<1x16xf32>,
        %get3A_1198 = vector.shape_cast %get3A_1197 : vector<1x16xf32> to vector<16xf32>
        %mul3A_1199 = arith.mulf %get3A_1198, %gather3A_1180 : vector<16xf32>
        %swap3A_1200 = arith.index_cast %add3A_1184 : i32 to index
        %swap3A_1201 = arith.constant 16 : index
        %swap3A_1202 = tpu.vector_load %arg11[%swap3A_1200, %swap3A_1201] {strides = array<i32>} : memref<80x128xf32, #tpu.memory_space<vmem>>, vector<1x16xf32>,
        %swap3A_1203 = vector.shape_cast %swap3A_1202 : vector<1x16xf32> to vector<16xf32>
        %swap3A_1204 = vector.shape_cast %mul3A_1199 : vector<16xf32> to vector<1x16xf32>
        tpu.vector_store %arg11[%swap3A_1200, %swap3A_1201], %swap3A_1204 {strides = array<i32>} : memref<80x128xf32, #tpu.memory_space<vmem>>, vector<1x16xf32>,
        %get3A_1205 = arith.index_cast %add3A_1184 : i32 to index
        %get3A_1206 = arith.constant 32 : index
        %get3A_1207 = tpu.vector_load %arg11[%get3A_1205, %get3A_1206] {strides = array<i32>} : memref<80x128xf32, #tpu.memory_space<vmem>>, vector<1x16xf32>,
        %get3A_1208 = vector.shape_cast %get3A_1207 : vector<1x16xf32> to vector<16xf32>
        %mul3A_1209 = arith.mulf %get3A_1208, %gather3A_1180 : vector<16xf32>
        %swap3A_1210 = arith.index_cast %add3A_1184 : i32 to index
        %swap3A_1211 = arith.constant 32 : index
        %swap3A_1212 = tpu.vector_load %arg11[%swap3A_1210, %swap3A_1211] {strides = array<i32>} : memref<80x128xf32, #tpu.memory_space<vmem>>, vector<1x16xf32>,
        %swap3A_1213 = vector.shape_cast %swap3A_1212 : vector<1x16xf32> to vector<16xf32>
        %swap3A_1214 = vector.shape_cast %mul3A_1209 : vector<16xf32> to vector<1x16xf32>
        tpu.vector_store %arg11[%swap3A_1210, %swap3A_1211], %swap3A_1214 {strides = array<i32>} : memref<80x128xf32, #tpu.memory_space<vmem>>, vector<1x16xf32>,
        %get3A_1215 = arith.index_cast %add3A_1184 : i32 to index
        %get3A_1216 = arith.constant 48 : index
        %get3A_1217 = tpu.vector_load %arg11[%get3A_1215, %get3A_1216] {strides = array<i32>} : memref<80x128xf32, #tpu.memory_space<vmem>>, vector<1x16xf32>,
        %get3A_1218 = vector.shape_cast %get3A_1217 : vector<1x16xf32> to vector<16xf32>
        %mul3A_1219 = arith.mulf %get3A_1218, %gather3A_1180 : vector<16xf32>
        %swap3A_1220 = arith.index_cast %add3A_1184 : i32 to index
        %swap3A_1221 = arith.constant 48 : index
        %swap3A_1222 = tpu.vector_load %arg11[%swap3A_1220, %swap3A_1221] {strides = array<i32>} : memref<80x128xf32, #tpu.memory_space<vmem>>, vector<1x16xf32>,
        %swap3A_1223 = vector.shape_cast %swap3A_1222 : vector<1x16xf32> to vector<16xf32>
        %swap3A_1224 = vector.shape_cast %mul3A_1219 : vector<16xf32> to vector<1x16xf32>
        tpu.vector_store %arg11[%swap3A_1220, %swap3A_1221], %swap3A_1224 {strides = array<i32>} : memref<80x128xf32, #tpu.memory_space<vmem>>, vector<1x16xf32>,
        %get3A_1225 = arith.index_cast %add3A_1184 : i32 to index
        %get3A_1226 = arith.constant 64 : index
        %get3A_1227 = tpu.vector_load %arg11[%get3A_1225, %get3A_1226] {strides = array<i32>} : memref<80x128xf32, #tpu.memory_space<vmem>>, vector<1x16xf32>,
        %get3A_1228 = vector.shape_cast %get3A_1227 : vector<1x16xf32> to vector<16xf32>
        %mul3A_1229 = arith.mulf %get3A_1228, %gather3A_1180 : vector<16xf32>
        %swap3A_1230 = arith.index_cast %add3A_1184 : i32 to index
        %swap3A_1231 = arith.constant 64 : index
        %swap3A_1232 = tpu.vector_load %arg11[%swap3A_1230, %swap3A_1231] {strides = array<i32>} : memref<80x128xf32, #tpu.memory_space<vmem>>, vector<1x16xf32>,
        %swap3A_1233 = vector.shape_cast %swap3A_1232 : vector<1x16xf32> to vector<16xf32>
        %swap3A_1234 = vector.shape_cast %mul3A_1229 : vector<16xf32> to vector<1x16xf32>
        tpu.vector_store %arg11[%swap3A_1230, %swap3A_1231], %swap3A_1234 {strides = array<i32>} : memref<80x128xf32, #tpu.memory_space<vmem>>, vector<1x16xf32>,
        %get3A_1235 = arith.index_cast %add3A_1184 : i32 to index
        %get3A_1236 = arith.constant 80 : index
        %get3A_1237 = tpu.vector_load %arg11[%get3A_1235, %get3A_1236] {strides = array<i32>} : memref<80x128xf32, #tpu.memory_space<vmem>>, vector<1x16xf32>,
        %get3A_1238 = vector.shape_cast %get3A_1237 : vector<1x16xf32> to vector<16xf32>
        %mul3A_1239 = arith.mulf %get3A_1238, %gather3A_1180 : vector<16xf32>
        %swap3A_1240 = arith.index_cast %add3A_1184 : i32 to index
        %swap3A_1241 = arith.constant 80 : index
        %swap3A_1242 = tpu.vector_load %arg11[%swap3A_1240, %swap3A_1241] {strides = array<i32>} : memref<80x128xf32, #tpu.memory_space<vmem>>, vector<1x16xf32>,
        %swap3A_1243 = vector.shape_cast %swap3A_1242 : vector<1x16xf32> to vector<16xf32>
        %swap3A_1244 = vector.shape_cast %mul3A_1239 : vector<16xf32> to vector<1x16xf32>
        tpu.vector_store %arg11[%swap3A_1240, %swap3A_1241], %swap3A_1244 {strides = array<i32>} : memref<80x128xf32, #tpu.memory_space<vmem>>, vector<1x16xf32>,
        %get3A_1245 = arith.index_cast %add3A_1184 : i32 to index
        %get3A_1246 = arith.constant 96 : index
        %get3A_1247 = tpu.vector_load %arg11[%get3A_1245, %get3A_1246] {strides = array<i32>} : memref<80x128xf32, #tpu.memory_space<vmem>>, vector<1x16xf32>,
        %get3A_1248 = vector.shape_cast %get3A_1247 : vector<1x16xf32> to vector<16xf32>
        %mul3A_1249 = arith.mulf %get3A_1248, %gather3A_1180 : vector<16xf32>
        %swap3A_1250 = arith.index_cast %add3A_1184 : i32 to index
        %swap3A_1251 = arith.constant 96 : index
        %swap3A_1252 = tpu.vector_load %arg11[%swap3A_1250, %swap3A_1251] {strides = array<i32>} : memref<80x128xf32, #tpu.memory_space<vmem>>, vector<1x16xf32>,
        %swap3A_1253 = vector.shape_cast %swap3A_1252 : vector<1x16xf32> to vector<16xf32>
        %swap3A_1254 = vector.shape_cast %mul3A_1249 : vector<16xf32> to vector<1x16xf32>
        tpu.vector_store %arg11[%swap3A_1250, %swap3A_1251], %swap3A_1254 {strides = array<i32>} : memref<80x128xf32, #tpu.memory_space<vmem>>, vector<1x16xf32>,
        %get3A_1255 = arith.index_cast %add3A_1184 : i32 to index
        %get3A_1256 = arith.constant 112 : index
        %get3A_1257 = tpu.vector_load %arg11[%get3A_1255, %get3A_1256] {strides = array<i32>} : memref<80x128xf32, #tpu.memory_space<vmem>>, vector<1x16xf32>,
        %get3A_1258 = vector.shape_cast %get3A_1257 : vector<1x16xf32> to vector<16xf32>
        %mul3A_1259 = arith.mulf %get3A_1258, %gather3A_1180 : vector<16xf32>
        %swap3A_1260 = arith.index_cast %add3A_1184 : i32 to index
        %swap3A_1261 = arith.constant 112 : index
        %swap3A_1262 = tpu.vector_load %arg11[%swap3A_1260, %swap3A_1261] {strides = array<i32>} : memref<80x128xf32, #tpu.memory_space<vmem>>, vector<1x16xf32>,
        %swap3A_1263 = vector.shape_cast %swap3A_1262 : vector<1x16xf32> to vector<16xf32>
        %swap3A_1264 = vector.shape_cast %mul3A_1259 : vector<16xf32> to vector<1x16xf32>
        tpu.vector_store %arg11[%swap3A_1260, %swap3A_1261], %swap3A_1264 {strides = array<i32>} : memref<80x128xf32, #tpu.memory_space<vmem>>, vector<1x16xf32>,
        %broadcast_in_dim3A_1265 = arith.constant 14 : i32
        %broadcast_in_dim3A_1266 = vector.broadcast %broadcast_in_dim3A_1265 : i32 to vector<16x1xi32>
        %gather3A_1267 = vector.shape_cast %broadcast_in_dim3A_1266 : vector<16x1xi32> to vector<16xi32>
        %gather3A_1268 = tpu.dynamic_gather %get3A_35[%gather3A_1267] in [0] : vector<16xf32>, vector<16xi32> -> vector<16xf32>
        %mul3A_1269 = arith.constant 16 : i32
        %mul3A_1270 = arith.muli %scan3A_31, %mul3A_1269 : i32
        %add3A_1271 = arith.constant 14 : i32
        %add3A_1272 = arith.addi %mul3A_1270, %add3A_1271 : i32
        %get3A_1273 = arith.index_cast %add3A_1272 : i32 to index
        %get3A_1274 = arith.constant 0 : index
        %get3A_1275 = tpu.vector_load %arg11[%get3A_1273, %get3A_1274] {strides = array<i32>} : memref<80x128xf32, #tpu.memory_space<vmem>>, vector<1x16xf32>,
        %get3A_1276 = vector.shape_cast %get3A_1275 : vector<1x16xf32> to vector<16xf32>
        %mul3A_1277 = arith.mulf %get3A_1276, %gather3A_1268 : vector<16xf32>
        %swap3A_1278 = arith.index_cast %add3A_1272 : i32 to index
        %swap3A_1279 = arith.constant 0 : index
        %swap3A_1280 = tpu.vector_load %arg11[%swap3A_1278, %swap3A_1279] {strides = array<i32>} : memref<80x128xf32, #tpu.memory_space<vmem>>, vector<1x16xf32>,
        %swap3A_1281 = vector.shape_cast %swap3A_1280 : vector<1x16xf32> to vector<16xf32>
        %swap3A_1282 = vector.shape_cast %mul3A_1277 : vector<16xf32> to vector<1x16xf32>
        tpu.vector_store %arg11[%swap3A_1278, %swap3A_1279], %swap3A_1282 {strides = array<i32>} : memref<80x128xf32, #tpu.memory_space<vmem>>, vector<1x16xf32>,
        %get3A_1283 = arith.index_cast %add3A_1272 : i32 to index
        %get3A_1284 = arith.constant 16 : index
        %get3A_1285 = tpu.vector_load %arg11[%get3A_1283, %get3A_1284] {strides = array<i32>} : memref<80x128xf32, #tpu.memory_space<vmem>>, vector<1x16xf32>,
        %get3A_1286 = vector.shape_cast %get3A_1285 : vector<1x16xf32> to vector<16xf32>
        %mul3A_1287 = arith.mulf %get3A_1286, %gather3A_1268 : vector<16xf32>
        %swap3A_1288 = arith.index_cast %add3A_1272 : i32 to index
        %swap3A_1289 = arith.constant 16 : index
        %swap3A_1290 = tpu.vector_load %arg11[%swap3A_1288, %swap3A_1289] {strides = array<i32>} : memref<80x128xf32, #tpu.memory_space<vmem>>, vector<1x16xf32>,
        %swap3A_1291 = vector.shape_cast %swap3A_1290 : vector<1x16xf32> to vector<16xf32>
        %swap3A_1292 = vector.shape_cast %mul3A_1287 : vector<16xf32> to vector<1x16xf32>
        tpu.vector_store %arg11[%swap3A_1288, %swap3A_1289], %swap3A_1292 {strides = array<i32>} : memref<80x128xf32, #tpu.memory_space<vmem>>, vector<1x16xf32>,
        %get3A_1293 = arith.index_cast %add3A_1272 : i32 to index
        %get3A_1294 = arith.constant 32 : index
        %get3A_1295 = tpu.vector_load %arg11[%get3A_1293, %get3A_1294] {strides = array<i32>} : memref<80x128xf32, #tpu.memory_space<vmem>>, vector<1x16xf32>,
        %get3A_1296 = vector.shape_cast %get3A_1295 : vector<1x16xf32> to vector<16xf32>
        %mul3A_1297 = arith.mulf %get3A_1296, %gather3A_1268 : vector<16xf32>
        %swap3A_1298 = arith.index_cast %add3A_1272 : i32 to index
        %swap3A_1299 = arith.constant 32 : index
        %swap3A_1300 = tpu.vector_load %arg11[%swap3A_1298, %swap3A_1299] {strides = array<i32>} : memref<80x128xf32, #tpu.memory_space<vmem>>, vector<1x16xf32>,
        %swap3A_1301 = vector.shape_cast %swap3A_1300 : vector<1x16xf32> to vector<16xf32>
        %swap3A_1302 = vector.shape_cast %mul3A_1297 : vector<16xf32> to vector<1x16xf32>
        tpu.vector_store %arg11[%swap3A_1298, %swap3A_1299], %swap3A_1302 {strides = array<i32>} : memref<80x128xf32, #tpu.memory_space<vmem>>, vector<1x16xf32>,
        %get3A_1303 = arith.index_cast %add3A_1272 : i32 to index
        %get3A_1304 = arith.constant 48 : index
        %get3A_1305 = tpu.vector_load %arg11[%get3A_1303, %get3A_1304] {strides = array<i32>} : memref<80x128xf32, #tpu.memory_space<vmem>>, vector<1x16xf32>,
        %get3A_1306 = vector.shape_cast %get3A_1305 : vector<1x16xf32> to vector<16xf32>
        %mul3A_1307 = arith.mulf %get3A_1306, %gather3A_1268 : vector<16xf32>
        %swap3A_1308 = arith.index_cast %add3A_1272 : i32 to index
        %swap3A_1309 = arith.constant 48 : index
        %swap3A_1310 = tpu.vector_load %arg11[%swap3A_1308, %swap3A_1309] {strides = array<i32>} : memref<80x128xf32, #tpu.memory_space<vmem>>, vector<1x16xf32>,
        %swap3A_1311 = vector.shape_cast %swap3A_1310 : vector<1x16xf32> to vector<16xf32>
        %swap3A_1312 = vector.shape_cast %mul3A_1307 : vector<16xf32> to vector<1x16xf32>
        tpu.vector_store %arg11[%swap3A_1308, %swap3A_1309], %swap3A_1312 {strides = array<i32>} : memref<80x128xf32, #tpu.memory_space<vmem>>, vector<1x16xf32>,
        %get3A_1313 = arith.index_cast %add3A_1272 : i32 to index
        %get3A_1314 = arith.constant 64 : index
        %get3A_1315 = tpu.vector_load %arg11[%get3A_1313, %get3A_1314] {strides = array<i32>} : memref<80x128xf32, #tpu.memory_space<vmem>>, vector<1x16xf32>,
        %get3A_1316 = vector.shape_cast %get3A_1315 : vector<1x16xf32> to vector<16xf32>
        %mul3A_1317 = arith.mulf %get3A_1316, %gather3A_1268 : vector<16xf32>
        %swap3A_1318 = arith.index_cast %add3A_1272 : i32 to index
        %swap3A_1319 = arith.constant 64 : index
        %swap3A_1320 = tpu.vector_load %arg11[%swap3A_1318, %swap3A_1319] {strides = array<i32>} : memref<80x128xf32, #tpu.memory_space<vmem>>, vector<1x16xf32>,
        %swap3A_1321 = vector.shape_cast %swap3A_1320 : vector<1x16xf32> to vector<16xf32>
        %swap3A_1322 = vector.shape_cast %mul3A_1317 : vector<16xf32> to vector<1x16xf32>
        tpu.vector_store %arg11[%swap3A_1318, %swap3A_1319], %swap3A_1322 {strides = array<i32>} : memref<80x128xf32, #tpu.memory_space<vmem>>, vector<1x16xf32>,
        %get3A_1323 = arith.index_cast %add3A_1272 : i32 to index
        %get3A_1324 = arith.constant 80 : index
        %get3A_1325 = tpu.vector_load %arg11[%get3A_1323, %get3A_1324] {strides = array<i32>} : memref<80x128xf32, #tpu.memory_space<vmem>>, vector<1x16xf32>,
        %get3A_1326 = vector.shape_cast %get3A_1325 : vector<1x16xf32> to vector<16xf32>
        %mul3A_1327 = arith.mulf %get3A_1326, %gather3A_1268 : vector<16xf32>
        %swap3A_1328 = arith.index_cast %add3A_1272 : i32 to index
        %swap3A_1329 = arith.constant 80 : index
        %swap3A_1330 = tpu.vector_load %arg11[%swap3A_1328, %swap3A_1329] {strides = array<i32>} : memref<80x128xf32, #tpu.memory_space<vmem>>, vector<1x16xf32>,
        %swap3A_1331 = vector.shape_cast %swap3A_1330 : vector<1x16xf32> to vector<16xf32>
        %swap3A_1332 = vector.shape_cast %mul3A_1327 : vector<16xf32> to vector<1x16xf32>
        tpu.vector_store %arg11[%swap3A_1328, %swap3A_1329], %swap3A_1332 {strides = array<i32>} : memref<80x128xf32, #tpu.memory_space<vmem>>, vector<1x16xf32>,
        %get3A_1333 = arith.index_cast %add3A_1272 : i32 to index
        %get3A_1334 = arith.constant 96 : index
        %get3A_1335 = tpu.vector_load %arg11[%get3A_1333, %get3A_1334] {strides = array<i32>} : memref<80x128xf32, #tpu.memory_space<vmem>>, vector<1x16xf32>,
        %get3A_1336 = vector.shape_cast %get3A_1335 : vector<1x16xf32> to vector<16xf32>
        %mul3A_1337 = arith.mulf %get3A_1336, %gather3A_1268 : vector<16xf32>
        %swap3A_1338 = arith.index_cast %add3A_1272 : i32 to index
        %swap3A_1339 = arith.constant 96 : index
        %swap3A_1340 = tpu.vector_load %arg11[%swap3A_1338, %swap3A_1339] {strides = array<i32>} : memref<80x128xf32, #tpu.memory_space<vmem>>, vector<1x16xf32>,
        %swap3A_1341 = vector.shape_cast %swap3A_1340 : vector<1x16xf32> to vector<16xf32>
        %swap3A_1342 = vector.shape_cast %mul3A_1337 : vector<16xf32> to vector<1x16xf32>
        tpu.vector_store %arg11[%swap3A_1338, %swap3A_1339], %swap3A_1342 {strides = array<i32>} : memref<80x128xf32, #tpu.memory_space<vmem>>, vector<1x16xf32>,
        %get3A_1343 = arith.index_cast %add3A_1272 : i32 to index
        %get3A_1344 = arith.constant 112 : index
        %get3A_1345 = tpu.vector_load %arg11[%get3A_1343, %get3A_1344] {strides = array<i32>} : memref<80x128xf32, #tpu.memory_space<vmem>>, vector<1x16xf32>,
        %get3A_1346 = vector.shape_cast %get3A_1345 : vector<1x16xf32> to vector<16xf32>
        %mul3A_1347 = arith.mulf %get3A_1346, %gather3A_1268 : vector<16xf32>
        %swap3A_1348 = arith.index_cast %add3A_1272 : i32 to index
        %swap3A_1349 = arith.constant 112 : index
        %swap3A_1350 = tpu.vector_load %arg11[%swap3A_1348, %swap3A_1349] {strides = array<i32>} : memref<80x128xf32, #tpu.memory_space<vmem>>, vector<1x16xf32>,
        %swap3A_1351 = vector.shape_cast %swap3A_1350 : vector<1x16xf32> to vector<16xf32>
        %swap3A_1352 = vector.shape_cast %mul3A_1347 : vector<16xf32> to vector<1x16xf32>
        tpu.vector_store %arg11[%swap3A_1348, %swap3A_1349], %swap3A_1352 {strides = array<i32>} : memref<80x128xf32, #tpu.memory_space<vmem>>, vector<1x16xf32>,
        %broadcast_in_dim3A_1353 = arith.constant 15 : i32
        %broadcast_in_dim3A_1354 = vector.broadcast %broadcast_in_dim3A_1353 : i32 to vector<16x1xi32>
        %gather3A_1355 = vector.shape_cast %broadcast_in_dim3A_1354 : vector<16x1xi32> to vector<16xi32>
        %gather3A_1356 = tpu.dynamic_gather %get3A_35[%gather3A_1355] in [0] : vector<16xf32>, vector<16xi32> -> vector<16xf32>
        %mul3A_1357 = arith.constant 16 : i32
        %mul3A_1358 = arith.muli %scan3A_31, %mul3A_1357 : i32
        %add3A_1359 = arith.constant 15 : i32
        %add3A_1360 = arith.addi %mul3A_1358, %add3A_1359 : i32
        %get3A_1361 = arith.index_cast %add3A_1360 : i32 to index
        %get3A_1362 = arith.constant 0 : index
        %get3A_1363 = tpu.vector_load %arg11[%get3A_1361, %get3A_1362] {strides = array<i32>} : memref<80x128xf32, #tpu.memory_space<vmem>>, vector<1x16xf32>,
        %get3A_1364 = vector.shape_cast %get3A_1363 : vector<1x16xf32> to vector<16xf32>
        %mul3A_1365 = arith.mulf %get3A_1364, %gather3A_1356 : vector<16xf32>
        %swap3A_1366 = arith.index_cast %add3A_1360 : i32 to index
        %swap3A_1367 = arith.constant 0 : index
        %swap3A_1368 = tpu.vector_load %arg11[%swap3A_1366, %swap3A_1367] {strides = array<i32>} : memref<80x128xf32, #tpu.memory_space<vmem>>, vector<1x16xf32>,
        %swap3A_1369 = vector.shape_cast %swap3A_1368 : vector<1x16xf32> to vector<16xf32>
        %swap3A_1370 = vector.shape_cast %mul3A_1365 : vector<16xf32> to vector<1x16xf32>
        tpu.vector_store %arg11[%swap3A_1366, %swap3A_1367], %swap3A_1370 {strides = array<i32>} : memref<80x128xf32, #tpu.memory_space<vmem>>, vector<1x16xf32>,
        %get3A_1371 = arith.index_cast %add3A_1360 : i32 to index
        %get3A_1372 = arith.constant 16 : index
        %get3A_1373 = tpu.vector_load %arg11[%get3A_1371, %get3A_1372] {strides = array<i32>} : memref<80x128xf32, #tpu.memory_space<vmem>>, vector<1x16xf32>,
        %get3A_1374 = vector.shape_cast %get3A_1373 : vector<1x16xf32> to vector<16xf32>
        %mul3A_1375 = arith.mulf %get3A_1374, %gather3A_1356 : vector<16xf32>
        %swap3A_1376 = arith.index_cast %add3A_1360 : i32 to index
        %swap3A_1377 = arith.constant 16 : index
        %swap3A_1378 = tpu.vector_load %arg11[%swap3A_1376, %swap3A_1377] {strides = array<i32>} : memref<80x128xf32, #tpu.memory_space<vmem>>, vector<1x16xf32>,
        %swap3A_1379 = vector.shape_cast %swap3A_1378 : vector<1x16xf32> to vector<16xf32>
        %swap3A_1380 = vector.shape_cast %mul3A_1375 : vector<16xf32> to vector<1x16xf32>
        tpu.vector_store %arg11[%swap3A_1376, %swap3A_1377], %swap3A_1380 {strides = array<i32>} : memref<80x128xf32, #tpu.memory_space<vmem>>, vector<1x16xf32>,
        %get3A_1381 = arith.index_cast %add3A_1360 : i32 to index
        %get3A_1382 = arith.constant 32 : index
        %get3A_1383 = tpu.vector_load %arg11[%get3A_1381, %get3A_1382] {strides = array<i32>} : memref<80x128xf32, #tpu.memory_space<vmem>>, vector<1x16xf32>,
        %get3A_1384 = vector.shape_cast %get3A_1383 : vector<1x16xf32> to vector<16xf32>
        %mul3A_1385 = arith.mulf %get3A_1384, %gather3A_1356 : vector<16xf32>
        %swap3A_1386 = arith.index_cast %add3A_1360 : i32 to index
        %swap3A_1387 = arith.constant 32 : index
        %swap3A_1388 = tpu.vector_load %arg11[%swap3A_1386, %swap3A_1387] {strides = array<i32>} : memref<80x128xf32, #tpu.memory_space<vmem>>, vector<1x16xf32>,
        %swap3A_1389 = vector.shape_cast %swap3A_1388 : vector<1x16xf32> to vector<16xf32>
        %swap3A_1390 = vector.shape_cast %mul3A_1385 : vector<16xf32> to vector<1x16xf32>
        tpu.vector_store %arg11[%swap3A_1386, %swap3A_1387], %swap3A_1390 {strides = array<i32>} : memref<80x128xf32, #tpu.memory_space<vmem>>, vector<1x16xf32>,
        %get3A_1391 = arith.index_cast %add3A_1360 : i32 to index
        %get3A_1392 = arith.constant 48 : index
        %get3A_1393 = tpu.vector_load %arg11[%get3A_1391, %get3A_1392] {strides = array<i32>} : memref<80x128xf32, #tpu.memory_space<vmem>>, vector<1x16xf32>,
        %get3A_1394 = vector.shape_cast %get3A_1393 : vector<1x16xf32> to vector<16xf32>
        %mul3A_1395 = arith.mulf %get3A_1394, %gather3A_1356 : vector<16xf32>
        %swap3A_1396 = arith.index_cast %add3A_1360 : i32 to index
        %swap3A_1397 = arith.constant 48 : index
        %swap3A_1398 = tpu.vector_load %arg11[%swap3A_1396, %swap3A_1397] {strides = array<i32>} : memref<80x128xf32, #tpu.memory_space<vmem>>, vector<1x16xf32>,
        %swap3A_1399 = vector.shape_cast %swap3A_1398 : vector<1x16xf32> to vector<16xf32>
        %swap3A_1400 = vector.shape_cast %mul3A_1395 : vector<16xf32> to vector<1x16xf32>
        tpu.vector_store %arg11[%swap3A_1396, %swap3A_1397], %swap3A_1400 {strides = array<i32>} : memref<80x128xf32, #tpu.memory_space<vmem>>, vector<1x16xf32>,
        %get3A_1401 = arith.index_cast %add3A_1360 : i32 to index
        %get3A_1402 = arith.constant 64 : index
        %get3A_1403 = tpu.vector_load %arg11[%get3A_1401, %get3A_1402] {strides = array<i32>} : memref<80x128xf32, #tpu.memory_space<vmem>>, vector<1x16xf32>,
        %get3A_1404 = vector.shape_cast %get3A_1403 : vector<1x16xf32> to vector<16xf32>
        %mul3A_1405 = arith.mulf %get3A_1404, %gather3A_1356 : vector<16xf32>
        %swap3A_1406 = arith.index_cast %add3A_1360 : i32 to index
        %swap3A_1407 = arith.constant 64 : index
        %swap3A_1408 = tpu.vector_load %arg11[%swap3A_1406, %swap3A_1407] {strides = array<i32>} : memref<80x128xf32, #tpu.memory_space<vmem>>, vector<1x16xf32>,
        %swap3A_1409 = vector.shape_cast %swap3A_1408 : vector<1x16xf32> to vector<16xf32>
        %swap3A_1410 = vector.shape_cast %mul3A_1405 : vector<16xf32> to vector<1x16xf32>
        tpu.vector_store %arg11[%swap3A_1406, %swap3A_1407], %swap3A_1410 {strides = array<i32>} : memref<80x128xf32, #tpu.memory_space<vmem>>, vector<1x16xf32>,
        %get3A_1411 = arith.index_cast %add3A_1360 : i32 to index
        %get3A_1412 = arith.constant 80 : index
        %get3A_1413 = tpu.vector_load %arg11[%get3A_1411, %get3A_1412] {strides = array<i32>} : memref<80x128xf32, #tpu.memory_space<vmem>>, vector<1x16xf32>,
        %get3A_1414 = vector.shape_cast %get3A_1413 : vector<1x16xf32> to vector<16xf32>
        %mul3A_1415 = arith.mulf %get3A_1414, %gather3A_1356 : vector<16xf32>
        %swap3A_1416 = arith.index_cast %add3A_1360 : i32 to index
        %swap3A_1417 = arith.constant 80 : index
        %swap3A_1418 = tpu.vector_load %arg11[%swap3A_1416, %swap3A_1417] {strides = array<i32>} : memref<80x128xf32, #tpu.memory_space<vmem>>, vector<1x16xf32>,
        %swap3A_1419 = vector.shape_cast %swap3A_1418 : vector<1x16xf32> to vector<16xf32>
        %swap3A_1420 = vector.shape_cast %mul3A_1415 : vector<16xf32> to vector<1x16xf32>
        tpu.vector_store %arg11[%swap3A_1416, %swap3A_1417], %swap3A_1420 {strides = array<i32>} : memref<80x128xf32, #tpu.memory_space<vmem>>, vector<1x16xf32>,
        %get3A_1421 = arith.index_cast %add3A_1360 : i32 to index
        %get3A_1422 = arith.constant 96 : index
        %get3A_1423 = tpu.vector_load %arg11[%get3A_1421, %get3A_1422] {strides = array<i32>} : memref<80x128xf32, #tpu.memory_space<vmem>>, vector<1x16xf32>,
        %get3A_1424 = vector.shape_cast %get3A_1423 : vector<1x16xf32> to vector<16xf32>
        %mul3A_1425 = arith.mulf %get3A_1424, %gather3A_1356 : vector<16xf32>
        %swap3A_1426 = arith.index_cast %add3A_1360 : i32 to index
        %swap3A_1427 = arith.constant 96 : index
        %swap3A_1428 = tpu.vector_load %arg11[%swap3A_1426, %swap3A_1427] {strides = array<i32>} : memref<80x128xf32, #tpu.memory_space<vmem>>, vector<1x16xf32>,
        %swap3A_1429 = vector.shape_cast %swap3A_1428 : vector<1x16xf32> to vector<16xf32>
        %swap3A_1430 = vector.shape_cast %mul3A_1425 : vector<16xf32> to vector<1x16xf32>
        tpu.vector_store %arg11[%swap3A_1426, %swap3A_1427], %swap3A_1430 {strides = array<i32>} : memref<80x128xf32, #tpu.memory_space<vmem>>, vector<1x16xf32>,
        %get3A_1431 = arith.index_cast %add3A_1360 : i32 to index
        %get3A_1432 = arith.constant 112 : index
        %get3A_1433 = tpu.vector_load %arg11[%get3A_1431, %get3A_1432] {strides = array<i32>} : memref<80x128xf32, #tpu.memory_space<vmem>>, vector<1x16xf32>,
        %get3A_1434 = vector.shape_cast %get3A_1433 : vector<1x16xf32> to vector<16xf32>
        %mul3A_1435 = arith.mulf %get3A_1434, %gather3A_1356 : vector<16xf32>
        %swap3A_1436 = arith.index_cast %add3A_1360 : i32 to index
        %swap3A_1437 = arith.constant 112 : index
        %swap3A_1438 = tpu.vector_load %arg11[%swap3A_1436, %swap3A_1437] {strides = array<i32>} : memref<80x128xf32, #tpu.memory_space<vmem>>, vector<1x16xf32>,
        %swap3A_1439 = vector.shape_cast %swap3A_1438 : vector<1x16xf32> to vector<16xf32>
        %swap3A_1440 = vector.shape_cast %mul3A_1435 : vector<16xf32> to vector<1x16xf32>
        tpu.vector_store %arg11[%swap3A_1436, %swap3A_1437], %swap3A_1440 {strides = array<i32>} : memref<80x128xf32, #tpu.memory_space<vmem>>, vector<1x16xf32>,
      }
      %scan3A_30 = arith.constant 5 : i32
      "tpu.region"() ({
        %run_scoped3A = tpu.sem_alloc : memref<!tpu.dma_semaphore, #tpu.memory_space<semaphore_mem>>
        %dma_start3A_31 = arith.constant 0 : i32
        %dma_start3A_32 = arith.constant 0 : i32
        %dma_start3A_33 = tpu.memref_slice %arg12[%dma_start3A_31, %dma_start3A_32] : memref<10240x128xf32, #tpu.memory_space<vmem_shared>> -> memref<10240x128xf32, #tpu.memory_space<vmem_shared>>
        tpu.enqueue_indirect_dma source(%arg11 : memref<80x128xf32, #tpu.memory_space<vmem>>) target(%dma_start3A_33 : memref<10240x128xf32, #tpu.memory_space<vmem_shared>>) offsets(%arg9 : memref<80xi32, #tpu.memory_space<vmem>>) semaphore(%run_scoped3A : memref<!tpu.dma_semaphore, #tpu.memory_space<semaphore_mem>>) {add = true}
        %dma_wait3A_34 = arith.constant 0 : i32
        %dma_wait3A_35 = arith.constant 0 : i32
        %dma_wait3A_36 = tpu.memref_slice %arg12[%dma_wait3A_34, %dma_wait3A_35] : memref<10240x128xf32, #tpu.memory_space<vmem_shared>> -> memref<10240x128xf32, #tpu.memory_space<vmem_shared>>
        tpu.wait_indirect_dma semaphore(%run_scoped3A : memref<!tpu.dma_semaphore, #tpu.memory_space<semaphore_mem>>) src(%arg11 : memref<80x128xf32, #tpu.memory_space<vmem>>) dst(%dma_wait3A_36 : memref<10240x128xf32, #tpu.memory_space<vmem_shared>>)
        tpu.yield
      }) : () -> ()
    }
    %scan3A_11 = arith.constant 125 : i32
    %barrier3A_12 = arith.constant 0 : index
    tpu.barrier barrier_id(%barrier3A_12)
    %mul3A_13 = arith.constant 640 : i32
    %mul3A_14 = arith.muli %arg1, %mul3A_13 : i32
    %mul3A_15 = arith.constant 640 : i32
    %mul3A_16 = arith.muli %arg1, %mul3A_15 : i32
    "tpu.region"() ({
      %run_scoped3A = tpu.sem_alloc : memref<!tpu.dma_semaphore, #tpu.memory_space<semaphore_mem>>
      %dma_start3A = arith.constant 0 : i32
      %dma_start3A_17 = tpu.memref_slice %arg7[%arg0, %mul3A_16, %dma_start3A] : memref<2x10240x128xf32, #tpu.memory_space<hbm>> -> memref<1x640x128xf32, #tpu.memory_space<hbm>>
      %dma_start3A_18 = tpu.memref_squeeze %dma_start3A_17 : memref<1x640x128xf32, #tpu.memory_space<hbm>> -> memref<640x128xf32, #tpu.memory_space<hbm>>
      %dma_start3A_19 = arith.constant 0 : i32
      %dma_start3A_20 = tpu.memref_slice %arg12[%mul3A_14, %dma_start3A_19] : memref<10240x128xf32, #tpu.memory_space<vmem_shared>> -> memref<640x128xf32, #tpu.memory_space<vmem_shared>>
      tpu.enqueue_dma source(%dma_start3A_20 : memref<640x128xf32, #tpu.memory_space<vmem_shared>>) target(%dma_start3A_18 : memref<640x128xf32, #tpu.memory_space<hbm>>) target_semaphore(%run_scoped3A : memref<!tpu.dma_semaphore, #tpu.memory_space<semaphore_mem>>)
      %dma_wait3A = arith.constant 0 : i32
      %dma_wait3A_21 = tpu.memref_slice %arg7[%arg0, %mul3A_16, %dma_wait3A] : memref<2x10240x128xf32, #tpu.memory_space<hbm>> -> memref<1x640x128xf32, #tpu.memory_space<hbm>>
      %dma_wait3A_22 = tpu.memref_squeeze %dma_wait3A_21 : memref<1x640x128xf32, #tpu.memory_space<hbm>> -> memref<640x128xf32, #tpu.memory_space<hbm>>
      %dma_wait3A_23 = arith.constant 0 : i32
      %dma_wait3A_24 = tpu.memref_slice %arg12[%mul3A_14, %dma_wait3A_23] : memref<10240x128xf32, #tpu.memory_space<vmem_shared>> -> memref<640x128xf32, #tpu.memory_space<vmem_shared>>
      tpu.wait_dma2 semaphore(%run_scoped3A : memref<!tpu.dma_semaphore, #tpu.memory_space<semaphore_mem>>) src(%dma_wait3A_24 : memref<640x128xf32, #tpu.memory_space<vmem_shared>>) dst(%dma_wait3A_22 : memref<640x128xf32, #tpu.memory_space<hbm>>)
      tpu.yield
    }) : () -> ()
    return
  }
}

module attributes {stable_mosaic.version = 14 : i64} {
  func.func @_sum_body(%arg0: i32, %arg1: memref<2x1024x128xf32, #tpu.memory_space<vmem>>, %arg2: memref<1024x128xf32, #tpu.memory_space<vmem>>) attributes {dimension_semantics = [#tpu.dimension_semantics<arbitrary>], iteration_bounds = array<i64: 10>, scalar_prefetch = 0 : i64, scratch_operands = 0 : i64, tpu.core_type = #tpu.core_type<tc>, window_params = [{transform_indices = @transform_0, window_bounds = array<i64: 2, 1024, 128>}, {transform_indices = @transform_1, window_bounds = array<i64: 1024, 128>}]} {
    %get3A = arith.constant 0 : index
    %get3A_0 = arith.constant 0 : index
    %get3A_1 = arith.constant 0 : index
    %get3A_2 = vector.load %arg1[%get3A, %get3A_0, %get3A_1] : memref<2x1024x128xf32, #tpu.memory_space<vmem>>, vector<1x1024x128xf32>
    %get3A_3 = vector.shape_cast %get3A_2 : vector<1x1024x128xf32> to vector<1024x128xf32>
    %get3A_4 = arith.constant 1 : index
    %get3A_5 = arith.constant 0 : index
    %get3A_6 = arith.constant 0 : index
    %get3A_7 = vector.load %arg1[%get3A_4, %get3A_5, %get3A_6] : memref<2x1024x128xf32, #tpu.memory_space<vmem>>, vector<1x1024x128xf32>
    %get3A_8 = vector.shape_cast %get3A_7 : vector<1x1024x128xf32> to vector<1024x128xf32>
    %add3A = arith.addf %get3A_3, %get3A_8 : vector<1024x128xf32>
    %swap3A = arith.constant 0 : index
    %swap3A_9 = arith.constant 0 : index
    %swap3A_10 = vector.load %arg2[%swap3A, %swap3A_9] : memref<1024x128xf32, #tpu.memory_space<vmem>>, vector<1024x128xf32>
    tpu.vector_store %arg2[%swap3A, %swap3A_9], %add3A {strides = array<i32>} : memref<1024x128xf32, #tpu.memory_space<vmem>>, vector<1024x128xf32>,
    return
  }
  func.func @transform_0(%arg0: i32) -> (i32, i32, i32) {
    %c0_i32 = arith.constant 0 : i32
    %c0_i32_0 = arith.constant 0 : i32
    %c0_i32_1 = arith.constant 0 : i32
    return %c0_i32, %arg0, %c0_i32_0 : i32, i32, i32
  }
  func.func @transform_1(%arg0: i32) -> (i32, i32) {
    %c0_i32 = arith.constant 0 : i32
    %c0_i32_0 = arith.constant 0 : i32
    return %arg0, %c0_i32 : i32, i32
  }
}

</mosaic_0001>

<sc_bundles>
// kernel: _spmm.4.cloned.1.call-start
scs
__scs_entry_jumppad:
0x0: {  	(pc) =	sbr.rel $0x88, $3  }
0x1: {  	(tag) =	ssettag $0x0;
	lr =	simm.s32 $0x1  }
0x2: {  	[smem:$0x3F9C] =	sst lr;
	_ =	strace $0xD0000000  }
0x3: {  	_ = 	snop  }
0x4: {  	_ = 	snop  }
0x5: {  	_ = 	snop  }
0x6: {  	_ = 	snop  }
0x7: {  	_ = 	snop  }
__scs_overlays_trampoline_lowered:
0x8: {  	[smem:$0x3FAB] =	sst s0  }
0x9: {  	[smem:$0x3FAC] =	sst s1  }
0xa: {  	[smem:$0x3FAD] =	sst s2  }
0xb: {  	[smem:$0x3FAE] =	sst s3  }
0xc: {  	[smem:$0x3FAF] =	sst s4  }
0xd: {  	[smem:$0x3FB0] =	sst s5  }
0xe: {  	[smem:$0x3FB1] =	sst s6  }
0xf: {  	[smem:$0x3FB2] =	sst s7  }
0x10: {  	[smem:$0x3FB3] =	sst s8  }
0x11: {  	[smem:$0x3FB4] =	sst s9;
	s0 =	simm.s32 @!p0 $0x0  }
0x12: {  	s1 =	sld [smem:$0x3F9A];
	s0 =	simm.s32 @p0 $0x1  }
0x13: {  	[smem:$0x3FB5] =	sst s0;
	s0 =	simm.s32 @!p1 $0x0  }
0x14: {  	s2 =	sld [smem:$0x3F99];
	s0 =	simm.s32 @p1 $0x1  }
0x15: {  	[smem:$0x3FB6] =	sst s0;
	s0 =	simm.s32 @!p2 $0x0  }
0x16: {  	s3 =	sld [smem:$0x3FDB];
	s0 =	simm.s32 @p2 $0x1  }
0x17: {  	s4 =	simm.s32 $0x1BF5;
	[smem:$0x3FB8] =	sst s0  }
0x18: {  	s0 =	sld [smem:$0x3F9B];
	_ =	swait.ge [sflag:s4], $0x0  }
0x19: {  	s7 =	sld [smem:$0x3F9C]  }
0x1a: {  	s8 =	sadd.s32 $0xFFFFE003, lr  }
0x1b: {  	s9 =	sadd.s32 $0xFFFFFEF7, lr;
	s5 =	simm.s32 $0xFFFFFFFF;
	p2 =	slt.u32 s8, $0xFFFFF086  }
0x1c: {  	p1 =	slt.u32 s9, $0xF7A;
	s5 =	simm.s32 @!p2 $0x0  }
0x1d: {  	s5 =	simm.s32 @p1 $0x1;
	p0 =	seq.s32 s7, s2  }
0x1e: {  	s7 =	smul.u32 @!p0 $0xF7A, s2;
	p2 =	seq.s32 @!p0 s5, $0x0  }
0x1f: {  	s9 =	smul.u32 $0xF7A, s1;
	s8 =	simm.s32 @!p0 $0x1BF5;
	p2 =	por !p2, p0  }
0x20: {  	[sflag:s8] =	ssyncset.s32 @!p0 $0xFFFFF086;
	s6 =	sadd.s32 @!p0 s3, s7;
	s7 =	simm.s32 @!p0 $0x108  }
0x21: {  	s3 =	sadd.s32 s3, s9;
	s6 =	sadd.s32 @!p0 $0x88, s6;
	s7 =	simm.s32 @p2 $0x1082  }
0x22: {  	[simem:s7], [sflag:s8] =	dma.local @!p0 [hbm:s6], $0xF7A  }
0x23: {  	s9 =	sor.u32 $0xD0000000, s2;
	s6 =	simm.s32 $0x108;
	_ =	swait.ge @!p0 [sflag:s8], $0x0  }
0x24: {  	s3 =	sadd.s32 $0x88, s3;
	s6 =	simm.s32 @!p1 $0x1082;
	[sflag:s4] =	ssyncset.s32 $0xFFFFF086  }
0x25: {  	[simem:s6], [sflag:s4] =	dma.local [hbm:s3], $0xF7A  }
0x26: {  	[smem:$0x3F9C] =	sst s1;
	(tag) =	ssettag s2;
	_ =	strace s9  }
0x27: {  	s1 =	sld [smem:$0x3FAC]  }
0x28: {  	s2 =	sld [smem:$0x3FAD]  }
0x29: {  	s4 =	sld [smem:$0x3FAF]  }
0x2a: {  	p0 =	seq.s32 s5, $0x0;
	s5 =	sld [smem:$0x3FB0]  }
0x2b: {  	s6 =	sld [smem:$0x3FB1]  }
0x2c: {  	s7 =	sld [smem:$0x3FB2]  }
0x2d: {  	s3 =	simm.s32 $0x108;
	s8 =	sld [smem:$0x3FB3]  }
0x2e: {  	s3 =	simm.s32 @!p0 $0x1082;
	s9 =	sld [smem:$0x3FB4]  }
0x2f: {  	lr =	sadd.s32 s0, s3;
	s0 =	sld [smem:$0x3FAB]  }
0x30: {  	s3 =	sld [smem:$0x3FAE]  }
0x31: {  	[smem:$0x3FB7] =	sst s10  }
0x32: {  	s10 =	sld [smem:$0x3FB5];
	_ =	sdelay $0x3  }
0x33: {  	p0 =	seq.s32 s10, $0x1;
	s10 =	sld [smem:$0x3FB7];
	_ =	sdelay $0x3  }
0x34: {  	[smem:$0x3FB7] =	sst s10  }
0x35: {  	s10 =	sld [smem:$0x3FB6];
	_ =	sdelay $0x3  }
0x36: {  	p1 =	seq.s32 s10, $0x1;
	s10 =	sld [smem:$0x3FB7];
	_ =	sdelay $0x3  }
0x37: {  	[smem:$0x3FB7] =	sst s10  }
0x38: {  	s10 =	sld [smem:$0x3FB8]  }
0x39: {  	_ = 	snop;
	(pc) =	sbr.ind lr, $3  }
0x3a: {  	_ = 	snop  }
0x3b: {  	_ = 	snop  }
0x3c: {  	p2 =	seq.s32 s10, $0x1;
	s10 =	sld [smem:$0x3FB7]  }
0x3d: {  	_ =	shalt  }
0x3e: {  	_ =	shalt  }
0x3f: {  	_ =	shalt  }
0x40: {  	_ =	shalt  }
0x41: {  	_ =	shalt  }
0x42: {  	_ =	shalt  }
0x43: {  	_ =	shalt  }
0x44: {  	_ =	shalt  }
0x45: {  	_ =	shalt  }
0x46: {  	_ =	shalt  }
0x47: {  	_ =	shalt  }
0x48: {  	_ =	shalt  }
0x49: {  	_ =	shalt  }
0x4a: {  	_ =	shalt  }
0x4b: {  	_ =	shalt  }
0x4c: {  	_ =	shalt  }
0x4d: {  	_ =	shalt  }
0x4e: {  	_ =	shalt  }
0x4f: {  	_ =	shalt  }
0x50: {  	_ =	shalt  }
0x51: {  	_ =	shalt  }
0x52: {  	_ =	shalt  }
0x53: {  	_ =	shalt  }
0x54: {  	_ =	shalt  }
0x55: {  	_ =	shalt  }
0x56: {  	_ =	shalt  }
0x57: {  	_ =	shalt  }
0x58: {  	_ =	shalt  }
0x59: {  	_ =	shalt  }
0x5a: {  	_ =	shalt  }
0x5b: {  	_ =	shalt  }
0x5c: {  	_ =	shalt  }
0x5d: {  	_ =	shalt  }
0x5e: {  	_ =	shalt  }
0x5f: {  	_ =	shalt  }
0x60: {  	_ =	shalt  }
0x61: {  	_ =	shalt  }
0x62: {  	_ =	shalt  }
0x63: {  	_ =	shalt  }
0x64: {  	_ =	shalt  }
0x65: {  	_ =	shalt  }
0x66: {  	_ =	shalt  }
0x67: {  	_ =	shalt  }
0x68: {  	_ =	shalt  }
0x69: {  	_ =	shalt  }
0x6a: {  	_ =	shalt  }
0x6b: {  	_ =	shalt  }
0x6c: {  	_ =	shalt  }
0x6d: {  	_ =	shalt  }
0x6e: {  	_ =	shalt  }
0x6f: {  	_ =	shalt  }
0x70: {  	_ =	shalt  }
0x71: {  	_ =	shalt  }
0x72: {  	_ =	shalt  }
0x73: {  	_ =	shalt  }
0x74: {  	_ =	shalt  }
0x75: {  	_ =	shalt  }
0x76: {  	_ =	shalt  }
0x77: {  	_ =	shalt  }
0x78: {  	_ =	shalt  }
0x79: {  	_ =	shalt  }
0x7a: {  	_ =	shalt  }
0x7b: {  	_ =	shalt  }
0x7c: {  	_ =	shalt  }
0x7d: {  	_ =	shalt  }
0x7e: {  	_ =	shalt  }
0x7f: {  	_ =	shalt  }
0x80: {  	_ =	shalt  }
0x81: {  	_ =	shalt  }
0x82: {  	_ =	shalt  }
0x83: {  	_ =	shalt  }
0x84: {  	_ =	shalt  }
0x85: {  	_ =	shalt  }
0x86: {  	_ =	shalt  }
0x87: {  	_ =	shalt  }
.Lfunc_end0:
.L_simem_size_0:
called_computation_lowered:
.L_overlay_start_0:
0x88: {  	s2 =	sld [smem:$0x3FD9]  }
0x89: {  	s3 =	sld [smem:$0x3FFE];
	_ =	sdelay $0x1  }
0x8a: {  	s1 =	srdreg.scid  }
0x8b: {  	s0 =	sand.u32 $0x1, s1  }
0x8c: {  	s17 =	sshll.u32 s0, $0xA;
	s2 =	sadd.s32 s3, s2  }
0x8d: {  	s2 =	sadd.s32 s2, s17  }
0x8e: {  	[smem:$0x3FC3] =	sst s2  }
0x8f: {  	_ = 	snop  }
0x90: {  	s2 =	sld [smem:$0x3FC9]  }
0x91: {  	s18 =	sld [smem:$0x3FC8]  }
0x92: {  	s4 =	sld [smem:$0x3FC7]  }
0x93: {  	s5 =	sld [smem:$0x3FC6]  }
0x94: {  	s6 =	sld [smem:$0x3FC5];
	(tm) =	ssettm $0x1  }
0x95: {  	s7 =	sld [smem:$0x3FFB];
	_ =	sdelay $0x3  }
0x96: {  	_ =	strace s7  }
0x97: {  	s7 =	sld [smem:$0x3FFC];
	_ =	sdelay $0x3  }
0x98: {  	_ =	strace s7  }
0x99: {  	s7 =	sld [smem:$0x3FFD];
	_ =	sdelay $0x3  }
0x9a: {  	_ =	strace s7  }
0x9b: {  	_ =	strace $0x8FFFFFFF  }
0x9c: {  	s19 =	sld [smem:$0x3FDB];
	_ =	sdelay $0x1  }
0x9d: {  	s8 =	simm.s32 $_scs_section_size  }
0x9e: {  	s9 =	simm.s32 $_size__tile_overlayer_lowered;
	s10 =	simm.s32 $_tile_overlayer_lowered  }
0x9f: {  	s22 =	simm.s32 $0x1BFF;
	s21 =	sshll.u32 s10, $0x1;
	s7 =	sadd.s32 s8, s19  }
0xa0: {  	s11 =	simm.s32 $0x0;
	s20 =	sshll.u32 s9, $0x1;
	s9 =	sadd.s32 s21, s7  }
0xa1: {  	[timem:s11], [sflag:s22] =	dma.local [hbm:s9], s20  }
0xa2: {  	_ =	swait.ge [sflag:s22], s20  }
0xa3: {  	s8 =	ssub.s32 $0x0, s20;
	[sflag:s22] =	ssyncset.done $0x0  }
0xa4: {  	[sflag:s22] =	ssyncadd.s32 s8;
	_ =	sdelay $0x1  }
0xa5: {  	s23 =	simm.s32 $0x1B8B  }
0xa6: {  	_ =	swait.ge [sflag:s23], $0x1  }
0xa7: {  	[sflag:s23] =	ssyncset.done $0x0  }
0xa8: {  	s25 =	simm.s32 $0x1B8E;
	s24 =	sld [smem:$0x3FFE];
	[sflag:s23] =	ssyncadd.s32 $0xFFFFFFFF  }
0xa9: {  	s26 =	simm.s32 $execute0_lowered;
	[smem:$0x3FD2] =	sst s25  }
0xaa: {  	s9 =	sshll.u32 s26, $0x1;
	_ =	strace $0x80000046;
	[dreg:$0x1] =	wrdreg $0xFFFFFFFF  }
0xab: {  	s28 =	simm.s32 $_size_execute0_lowered;
	s7 =	sadd.s32 s7, s9;
	[dreg:$0x0] =	wrdreg $0x0  }
0xac: {  	s9 =	sshll.u32 s28, $0x1;
	[dreg:$0x2] =	wrdreg s7  }
0xad: {  	[dreg:$0x3] =	wrdreg s9  }
0xae: {  	[dreg:$0x4] =	wrdreg $0xC0  }
0xaf: {  	_ =	task [dreg:s11], $0x5FFFF  }
0xb0: {  	[dreg:$0x1] =	wrdreg $0xFFFFFFFF  }
0xb1: {  	[dreg:$0x0] =	wrdreg $0x60  }
0xb2: {  	[dreg:$0x2] =	wrdreg s2  }
0xb3: {  	[dreg:$0x3] =	wrdreg s18  }
0xb4: {  	[dreg:$0x4] =	wrdreg s4  }
0xb5: {  	[dreg:$0x5] =	wrdreg s5  }
0xb6: {  	[dreg:$0x6] =	wrdreg s6  }
0xb7: {  	[dreg:$0x7] =	wrdreg s24  }
0xb8: {  	[dreg:$0x8] =	wrdreg $0x29800  }
0xb9: {  	[dreg:$0x9] =	wrdreg $0x9  }
0xba: {  	_ =	task.clear_ibuf [dreg:s11], $0xAFFFF;
	_ =	strace $0x90000046  }
0xbb: {  	s29 =	simm.s32 $0x9;
	_ =	strace $0x80000048  }
0xbc: {  	_ =	swait.ge [sflag:s29], $0x1  }
0xbd: {  	[sflag:s29] =	ssyncadd.s32 $0xFFFFFFFF  }
0xbe: {  	_ =	strace $0x90000048  }
0xbf: {  	_ =	sfence  }
0xc0: {  	s30 =	sld [smem:$0x0];
	_ =	sdelay $0x2  }
0xc1: {  	s31 =	sshll.u32 s1, $0xD;
	s1 =	sshrl.u32 s1, $0x2  }
0xc2: {  	s3 =	sand.u32 $0x4000, s31;
	s1 =	sadd.s32 s1, s30  }
0xc3: {  	s0 =	sor.u32 s3, s0;
	s1 =	sshll.u32 s1, $0x11  }
0xc4: {  	s0 =	sor.u32 s1, s0  }
0xc5: {  	s0 =	sadd.s32 $0x8F2B, s0  }
0xc6: {  	[sflag:s0] =	ssyncadd.remote.s32 $0x1  }
0xc7: {  	_ =	sfence.sel $0xFFFF  }
0xc8: {  	[dreg:$0x0] =	wrdreg $0xFFFFFFFF;
	(pc) =	sbr.abs _section_cstart, $3  }
0xc9: {  	[dreg:$0x1] =	wrdreg $0xFFFFFFFF  }
0xca: {  	_ =	task.clear_ibuf [dreg:s11], $0x2FFFF;
	_ =	strace $0x9FFFFFFF  }
0xcb: {  	(tm) =	ssettm $0x7FFFFFFF  }
tec
execute0_lowered:
.L_overlay_start_1:
0x0: {  	(tag) =	ssettag $0x1  }
0x1: {  	s0 =	rddreg [dreg:$0x0]  }
0x2: {  	s1 =	rddreg [dreg:$0x1]  }
0x3: {  	s3 =	rddreg [dreg:$0x2]  }
0x4: {  	s4 =	rddreg [dreg:$0x3]  }
0x5: {  	s8 =	rddreg [dreg:$0x4];
	s5 =	srdreg.scid  }
0x6: {  	s2 =	stileid.u32;
	s9 =	rddreg [dreg:$0x5]  }
0x7: {  	s6 =	rddreg [dreg:$0x6];
	s7 =	simm.s32 $0x0;
	s15 =	simm.s32 $0x80  }
0x8: {  	s16 =	simm.s32 $0x100;
	s17 =	simm.s32 $0x50;
	s18 =	simm.s32 $0x180  }
0x9: {  	s10 =	sand.u32 $0x1, s5;
	s11 =	smul.u32 $0x14000, s2;
	s5 =	rddreg [dreg:$0x7]  }
0xa: {  	s19 =	simm.s32 $0x1;
	[smem:$0x7FF] =	sst s7;
	s13 =	smul.u32 $0x50000, s2  }
0xb: {  	s31 =	sshll.u32 s2, $0x6;
	s12 =	smul.u32 $0x140000, s10;
	s14 =	ssub.s32 $0x2, s10  }
0xc: {  	v0 =	vimm.s32 $0x0;
	_ =	strace $0x80000047;
	s29 =	sshll.u32 s10, $0x4;
	s28 =	sshrl.u32 s14, $0x1  }
0xd: {  	v1 =	vimm.s32 $0x1;
	v2 =	vimm.s32 $0x2;
	v3 =	vimm.s32 $0x3;
	s13 =	sshrl.u32 s13, $0x2;
	s10 =	sor.u32 s2, s29;
	s30 =	sshrl.u32 s11, $0x3  }
0xe: {  	v4 =	vimm.s32 $0x4;
	v5 =	vimm.s32 $0x5;
	v6 =	vimm.s32 $0x6;
	s12 =	sadd.s32 s11, s12;
	s14 =	ssub.s32 s14, s28;
	s13 =	sadd.s32 s13, s6  }
0xf: {  	v7 =	vimm.s32 $0x7;
	v8 =	vimm.s32 $0x8;
	v9 =	vimm.s32 $0x9;
	s8 =	sadd.s32 s8, s30;
	s10 =	smul.u32 $0x2710, s10;
	s12 =	sshrl.u32 s12, $0x3  }
0x10: {  	v10 =	vimm.s32 $0xA;
	v11 =	vimm.s32 $0xB;
	v12 =	vimm.s32 $0xC;
	s13 =	sshrl.u32 s13, $0x3;
	s12 =	sadd.s32 s12, s9;
	s9 =	sor.u32 $0x1C02, s31  }
0x11: {  	v13 =	vimm.s32 $0xD;
	v14 =	vimm.s32 $0xE;
	v15 =	vimm.s32 $0xF;
	s11 =	sadd.s32 $0x600, s12;
	s12 =	smax.u32 s14, $0x1;
	s14 =	simm.s32 $0x2  }
.LBB2_1:
0x12: {  	[spmem:s13], [sflag:s9] =	dma.local [hbm:s8], $0x2800  }
0x13: {  	_ =	swait.ge [sflag:s14], $0x2800  }
0x14: {  	[sflag:s14] =	ssyncset.done $0x0  }
0x15: {  	[sflag:s14] =	ssyncadd.s32 $0xFFFFD800  }
0x16: {  	s20 =	simm.s32 $0x0;
	[bflag:$0x0] =	sbarrier.arrive $0xFFFF  }
.LBB2_2:
0x17: {  	s21 =	smul.u32 $0x50, s20;
	_ =	sdelay $0x1  }
0x18: {  	s21 =	sadd.s32 s10, s21  }
0x19: {  	s22 =	sshrl.u32 s21, $0x3  }
0x1a: {  	s21 =	simm.s32 $0x0;
	s23 =	sadd.s32 s0, s22  }
0x1b: {  	[tilespmem:s21], [sflag:$0x2] =	stream.linear.gather [hbm4b:s23+s21], $0x50, $0x38;
	[tilespmem:$0x16980] =	vst v63  }
0x1c: {  	_ =	swait.ge [sflag:s14], $0x50  }
0x1d: {  	[sflag:s14] =	ssyncset.done $0x0  }
0x1e: {  	s31 =	sadd.s32 s1, s22;
	[sflag:s14] =	ssyncadd.s32 $0xFFFFFFB0  }
0x1f: {  	[tilespmem:s15], [sflag:$0x2] =	stream.linear.gather [hbm4b:s31+s21], $0x50, $0x38;
	[tilespmem:$0x16980] =	vst v63  }
0x20: {  	_ =	swait.ge [sflag:s14], $0x50  }
0x21: {  	[sflag:s14] =	ssyncset.done $0x0  }
0x22: {  	s22 =	sadd.s32 s3, s22;
	[sflag:s14] =	ssyncadd.s32 $0xFFFFFFB0  }
0x23: {  	[tilespmem:s16], [sflag:$0x2] =	stream.linear.gather [hbm4b:s22+s21], $0x50, $0x38;
	[tilespmem:$0x16980] =	vst v63  }
0x24: {  	_ =	swait.ge [sflag:s14], $0x50  }
0x25: {  	[sflag:s14] =	ssyncset.done $0x0  }
0x26: {  	[sflag:s14] =	ssyncadd.s32 $0xFFFFFFB0  }
0x27: {  	[tilespmem:s18], [sflag:$0x1] =	stream.indirect.gather [hbm4b:s4+s17], $0x80, s21, s17, $0xb8;
	[tilespmem:$0x16980] =	vst v63  }
0x28: {  	_ =	swait.ge [sflag:s19], $0x2800  }
0x29: {  	[sflag:s19] =	ssyncset.done $0x0  }
0x2a: {  	[sflag:s19] =	ssyncadd.s32 $0xFFFFD800  }
.LBB2_3:
0x2b: {  	s22 =	sshll.u32 s21, $0x4  }
0x2c: {  	s22 =	sand.u32 $0x3FFFFFF0, s22  }
0x2d: {  	s31 =	sshll.u32 s21, $0xB;
	v16 =	vld [tilespmem:s22+$0x100]  }
0x2e: {  	s22 =	sand.u32 $0x3FFFF800, s31  }
0x2f: {  	v17 =	vld [tilespmem:s22+$0x180]  }
0x30: {  	v18 =	vld [tilespmem:s22+$0x190]  }
0x31: {  	v19 =	vld [tilespmem:s22+$0x1A0]  }
0x32: {  	v21 =	vld [tilespmem:s22+$0x1B0];
	v20 =	vperm.xlane v16, v0  }
0x33: {  	v22 =	vld [tilespmem:s22+$0x1C0]  }
0x34: {  	v23 =	vld [tilespmem:s22+$0x1D0];
	v17 =	vmul.f32 v17, v20  }
0x35: {  	v24 =	vld [tilespmem:s22+$0x1E0];
	v18 =	vmul.f32 v18, v20  }
0x36: {  	v48 =	vld [tilespmem:s22+$0x1F0];
	[tilespmem:s22+$0x180] =	vst v17;
	v17 =	vmul.f32 v19, v20  }
0x37: {  	v50 =	vld [tilespmem:s22+$0x200];
	v49 =	vmul.f32 v21, v20;
	[tilespmem:s22+$0x190] =	vst v18  }
0x38: {  	v51 =	vld [tilespmem:s22+$0x210];
	[tilespmem:s22+$0x1A0] =	vst v17;
	v17 =	vmul.f32 v22, v20  }
0x39: {  	v53 =	vld [tilespmem:s22+$0x220];
	v52 =	vmul.f32 v23, v20;
	[tilespmem:s22+$0x1B0] =	vst v49  }
0x3a: {  	v25 =	vld [tilespmem:s22+$0x230];
	v54 =	vperm.xlane v16, v1;
	[tilespmem:s22+$0x1C0] =	vst v17;
	v17 =	vmul.f32 v24, v20  }
0x3b: {  	v56 =	vld [tilespmem:s22+$0x240];
	v55 =	vmul.f32 v48, v20;
	[tilespmem:s22+$0x1D0] =	vst v52  }
0x3c: {  	v57 =	vld [tilespmem:s22+$0x250];
	[tilespmem:s22+$0x1E0] =	vst v17;
	v17 =	vmul.f32 v50, v54  }
0x3d: {  	v59 =	vld [tilespmem:s22+$0x260];
	v58 =	vmul.f32 v51, v54;
	[tilespmem:s22+$0x1F0] =	vst v55  }
0x3e: {  	v60 =	vld [tilespmem:s22+$0x270];
	[tilespmem:s22+$0x200] =	vst v17;
	v17 =	vmul.f32 v53, v54  }
0x3f: {  	v62 =	vld [tilespmem:s22+$0x280];
	v61 =	vmul.f32 v25, v54;
	[tilespmem:s22+$0x210] =	vst v58  }
0x40: {  	v63 =	vld [tilespmem:s22+$0x290];
	[tilespmem:s22+$0x220] =	vst v17;
	v17 =	vmul.f32 v56, v54  }
0x41: {  	v29 =	vld [tilespmem:s22+$0x2A0];
	v28 =	vmul.f32 v57, v54;
	[tilespmem:s22+$0x230] =	vst v61  }
0x42: {  	v31 =	vld [tilespmem:s22+$0x2B0];
	v30 =	vperm.xlane v16, v2;
	[tilespmem:s22+$0x240] =	vst v17;
	v17 =	vmul.f32 v59, v54  }
0x43: {  	v33 =	vld [tilespmem:s22+$0x2C0];
	v32 =	vmul.f32 v60, v54;
	[tilespmem:s22+$0x250] =	vst v28  }
0x44: {  	v34 =	vld [tilespmem:s22+$0x2D0];
	[tilespmem:s22+$0x260] =	vst v17;
	v17 =	vmul.f32 v62, v30  }
0x45: {  	v36 =	vld [tilespmem:s22+$0x2E0];
	v35 =	vmul.f32 v63, v30;
	[tilespmem:s22+$0x270] =	vst v32  }
0x46: {  	v37 =	vld [tilespmem:s22+$0x2F0];
	[tilespmem:s22+$0x280] =	vst v17;
	v17 =	vmul.f32 v29, v30  }
0x47: {  	v39 =	vld [tilespmem:s22+$0x300];
	v38 =	vmul.f32 v31, v30;
	[tilespmem:s22+$0x290] =	vst v35  }
0x48: {  	v40 =	vld [tilespmem:s22+$0x310];
	[tilespmem:s22+$0x2A0] =	vst v17;
	v17 =	vmul.f32 v33, v30  }
0x49: {  	v42 =	vld [tilespmem:s22+$0x320];
	v41 =	vmul.f32 v34, v30;
	[tilespmem:s22+$0x2B0] =	vst v38  }
0x4a: {  	v44 =	vld [tilespmem:s22+$0x330];
	v43 =	vperm.xlane v16, v3;
	[tilespmem:s22+$0x2C0] =	vst v17;
	v17 =	vmul.f32 v36, v30  }
0x4b: {  	v46 =	vld [tilespmem:s22+$0x340];
	v45 =	vmul.f32 v37, v30;
	[tilespmem:s22+$0x2D0] =	vst v41  }
0x4c: {  	v50 =	vld [tilespmem:s22+$0x370];
	[tilespmem:s22+$0x2E0] =	vst v17;
	v17 =	vmul.f32 v39, v43  }
0x4d: {  	v48 =	vmul.f32 v40, v43;
	[tilespmem:s22+$0x2F0] =	vst v45;
	v49 =	vld [tilespmem:s22+$0x360]  }
0x4e: {  	v47 =	vld [tilespmem:s22+$0x350];
	[tilespmem:s22+$0x300] =	vst v17;
	v17 =	vmul.f32 v42, v43  }
0x4f: {  	v51 =	vmul.f32 v44, v43;
	[tilespmem:s22+$0x310] =	vst v48;
	v52 =	vld [tilespmem:s22+$0x380]  }
0x50: {  	v57 =	vld [tilespmem:s22+$0x3B0];
	[tilespmem:s22+$0x320] =	vst v17;
	v17 =	vmul.f32 v46, v43  }
0x51: {  	[tilespmem:s22+$0x330] =	vst v51;
	v55 =	vld [tilespmem:s22+$0x3A0];
	v58 =	vmul.f32 v50, v43  }
0x52: {  	v60 =	vld [tilespmem:s22+$0x3D0];
	v56 =	vperm.xlane v16, v4;
	[tilespmem:s22+$0x340] =	vst v17;
	v17 =	vmul.f32 v49, v43  }
0x53: {  	v54 =	vmul.f32 v47, v43;
	v59 =	vld [tilespmem:s22+$0x3C0];
	[tilespmem:s22+$0x370] =	vst v58  }
0x54: {  	v63 =	vld [tilespmem:s22+$0x3F0];
	[tilespmem:s22+$0x360] =	vst v17;
	v17 =	vmul.f32 v52, v56  }
0x55: {  	v28 =	vmul.f32 v57, v56;
	[tilespmem:s22+$0x350] =	vst v54;
	v62 =	vld [tilespmem:s22+$0x3E0]  }
0x56: {  	v53 =	vld [tilespmem:s22+$0x390];
	[tilespmem:s22+$0x380] =	vst v17;
	v17 =	vmul.f32 v55, v56  }
0x57: {  	v31 =	vmul.f32 v60, v56;
	[tilespmem:s22+$0x3B0] =	vst v28;
	v29 =	vld [tilespmem:s22+$0x400]  }
0x58: {  	v34 =	vld [tilespmem:s22+$0x430];
	[tilespmem:s22+$0x3A0] =	vst v17;
	v17 =	vmul.f32 v59, v56  }
0x59: {  	v32 =	vld [tilespmem:s22+$0x420];
	v35 =	vmul.f32 v63, v56;
	[tilespmem:s22+$0x3D0] =	vst v31  }
0x5a: {  	v37 =	vld [tilespmem:s22+$0x450];
	v33 =	vperm.xlane v16, v5;
	[tilespmem:s22+$0x3C0] =	vst v17;
	v17 =	vmul.f32 v62, v56  }
0x5b: {  	v61 =	vmul.f32 v53, v56;
	[tilespmem:s22+$0x3F0] =	vst v35;
	v36 =	vld [tilespmem:s22+$0x440]  }
0x5c: {  	v40 =	vld [tilespmem:s22+$0x470];
	[tilespmem:s22+$0x3E0] =	vst v17;
	v17 =	vmul.f32 v29, v33  }
0x5d: {  	[tilespmem:s22+$0x390] =	vst v61;
	v41 =	vmul.f32 v34, v33;
	v39 =	vld [tilespmem:s22+$0x460]  }
0x5e: {  	v30 =	vld [tilespmem:s22+$0x410];
	[tilespmem:s22+$0x400] =	vst v17;
	v17 =	vmul.f32 v32, v33  }
0x5f: {  	v44 =	vmul.f32 v37, v33;
	[tilespmem:s22+$0x430] =	vst v41;
	v42 =	vld [tilespmem:s22+$0x480]  }
0x60: {  	v47 =	vld [tilespmem:s22+$0x4B0];
	[tilespmem:s22+$0x420] =	vst v17;
	v17 =	vmul.f32 v36, v33  }
0x61: {  	v45 =	vld [tilespmem:s22+$0x4A0];
	v48 =	vmul.f32 v40, v33;
	[tilespmem:s22+$0x450] =	vst v44  }
0x62: {  	v50 =	vld [tilespmem:s22+$0x4D0];
	v46 =	vperm.xlane v16, v6;
	[tilespmem:s22+$0x440] =	vst v17;
	v17 =	vmul.f32 v39, v33  }
0x63: {  	[tilespmem:s22+$0x470] =	vst v48;
	v38 =	vmul.f32 v30, v33;
	v49 =	vld [tilespmem:s22+$0x4C0]  }
0x64: {  	v53 =	vld [tilespmem:s22+$0x4F0];
	[tilespmem:s22+$0x460] =	vst v17;
	v17 =	vmul.f32 v42, v46  }
0x65: {  	[tilespmem:s22+$0x410] =	vst v38;
	v54 =	vmul.f32 v47, v46;
	v52 =	vld [tilespmem:s22+$0x4E0]  }
0x66: {  	v43 =	vld [tilespmem:s22+$0x490];
	[tilespmem:s22+$0x480] =	vst v17;
	v17 =	vmul.f32 v45, v46  }
0x67: {  	v57 =	vmul.f32 v50, v46;
	[tilespmem:s22+$0x4B0] =	vst v54;
	v55 =	vld [tilespmem:s22+$0x500]  }
0x68: {  	v60 =	vld [tilespmem:s22+$0x530];
	[tilespmem:s22+$0x4A0] =	vst v17;
	v17 =	vmul.f32 v49, v46  }
0x69: {  	v58 =	vld [tilespmem:s22+$0x520];
	v61 =	vmul.f32 v53, v46;
	[tilespmem:s22+$0x4D0] =	vst v57  }
0x6a: {  	v63 =	vld [tilespmem:s22+$0x550];
	v59 =	vperm.xlane v16, v7;
	[tilespmem:s22+$0x4C0] =	vst v17;
	v17 =	vmul.f32 v52, v46  }
0x6b: {  	[tilespmem:s22+$0x4F0] =	vst v61;
	v51 =	vmul.f32 v43, v46;
	v62 =	vld [tilespmem:s22+$0x540]  }
0x6c: {  	v30 =	vld [tilespmem:s22+$0x570];
	[tilespmem:s22+$0x4E0] =	vst v17;
	v17 =	vmul.f32 v55, v59  }
0x6d: {  	[tilespmem:s22+$0x490] =	vst v51;
	v31 =	vmul.f32 v60, v59;
	v29 =	vld [tilespmem:s22+$0x560]  }
0x6e: {  	v56 =	vld [tilespmem:s22+$0x510];
	[tilespmem:s22+$0x500] =	vst v17;
	v17 =	vmul.f32 v58, v59  }
0x6f: {  	v34 =	vmul.f32 v63, v59;
	[tilespmem:s22+$0x530] =	vst v31;
	v32 =	vld [tilespmem:s22+$0x580]  }
0x70: {  	v37 =	vld [tilespmem:s22+$0x5B0];
	[tilespmem:s22+$0x520] =	vst v17;
	v17 =	vmul.f32 v62, v59  }
0x71: {  	v35 =	vld [tilespmem:s22+$0x5A0];
	v38 =	vmul.f32 v30, v59;
	[tilespmem:s22+$0x550] =	vst v34  }
0x72: {  	v40 =	vld [tilespmem:s22+$0x5D0];
	v36 =	vperm.xlane v16, v8;
	[tilespmem:s22+$0x540] =	vst v17;
	v17 =	vmul.f32 v29, v59  }
0x73: {  	[tilespmem:s22+$0x570] =	vst v38;
	v28 =	vmul.f32 v56, v59;
	v39 =	vld [tilespmem:s22+$0x5C0]  }
0x74: {  	v43 =	vld [tilespmem:s22+$0x5F0];
	[tilespmem:s22+$0x560] =	vst v17;
	v17 =	vmul.f32 v32, v36  }
0x75: {  	[tilespmem:s22+$0x510] =	vst v28;
	v44 =	vmul.f32 v37, v36;
	v42 =	vld [tilespmem:s22+$0x5E0]  }
0x76: {  	v33 =	vld [tilespmem:s22+$0x590];
	[tilespmem:s22+$0x580] =	vst v17;
	v17 =	vmul.f32 v35, v36  }
0x77: {  	v47 =	vmul.f32 v40, v36;
	[tilespmem:s22+$0x5B0] =	vst v44;
	v45 =	vld [tilespmem:s22+$0x600]  }
0x78: {  	v50 =	vld [tilespmem:s22+$0x630];
	[tilespmem:s22+$0x5A0] =	vst v17;
	v17 =	vmul.f32 v39, v36  }
0x79: {  	v48 =	vld [tilespmem:s22+$0x620];
	v51 =	vmul.f32 v43, v36;
	[tilespmem:s22+$0x5D0] =	vst v47  }
0x7a: {  	v53 =	vld [tilespmem:s22+$0x650];
	v49 =	vperm.xlane v16, v9;
	[tilespmem:s22+$0x5C0] =	vst v17;
	v17 =	vmul.f32 v42, v36  }
0x7b: {  	[tilespmem:s22+$0x5F0] =	vst v51;
	v41 =	vmul.f32 v33, v36;
	v52 =	vld [tilespmem:s22+$0x640]  }
0x7c: {  	v56 =	vld [tilespmem:s22+$0x670];
	[tilespmem:s22+$0x5E0] =	vst v17;
	v17 =	vmul.f32 v45, v49  }
0x7d: {  	[tilespmem:s22+$0x590] =	vst v41;
	v57 =	vmul.f32 v50, v49;
	v55 =	vld [tilespmem:s22+$0x660]  }
0x7e: {  	v46 =	vld [tilespmem:s22+$0x610];
	[tilespmem:s22+$0x600] =	vst v17;
	v17 =	vmul.f32 v48, v49  }
0x7f: {  	v60 =	vmul.f32 v53, v49;
	[tilespmem:s22+$0x630] =	vst v57;
	v58 =	vld [tilespmem:s22+$0x680]  }
0x80: {  	v63 =	vld [tilespmem:s22+$0x6B0];
	[tilespmem:s22+$0x620] =	vst v17;
	v17 =	vmul.f32 v52, v49  }
0x81: {  	v61 =	vld [tilespmem:s22+$0x6A0];
	v28 =	vmul.f32 v56, v49;
	[tilespmem:s22+$0x650] =	vst v60  }
0x82: {  	v30 =	vld [tilespmem:s22+$0x6D0];
	v62 =	vperm.xlane v16, v10;
	[tilespmem:s22+$0x640] =	vst v17;
	v17 =	vmul.f32 v55, v49  }
0x83: {  	[tilespmem:s22+$0x670] =	vst v28;
	v54 =	vmul.f32 v46, v49;
	v29 =	vld [tilespmem:s22+$0x6C0]  }
0x84: {  	v33 =	vld [tilespmem:s22+$0x6F0];
	[tilespmem:s22+$0x660] =	vst v17;
	v17 =	vmul.f32 v58, v62  }
0x85: {  	[tilespmem:s22+$0x610] =	vst v54;
	v34 =	vmul.f32 v63, v62;
	v32 =	vld [tilespmem:s22+$0x6E0]  }
0x86: {  	v59 =	vld [tilespmem:s22+$0x690];
	[tilespmem:s22+$0x680] =	vst v17;
	v17 =	vmul.f32 v61, v62  }
0x87: {  	v37 =	vmul.f32 v30, v62;
	[tilespmem:s22+$0x6B0] =	vst v34;
	v35 =	vld [tilespmem:s22+$0x700]  }
0x88: {  	v40 =	vld [tilespmem:s22+$0x730];
	[tilespmem:s22+$0x6A0] =	vst v17;
	v17 =	vmul.f32 v29, v62  }
0x89: {  	v38 =	vld [tilespmem:s22+$0x720];
	v41 =	vmul.f32 v33, v62;
	[tilespmem:s22+$0x6D0] =	vst v37  }
0x8a: {  	v43 =	vld [tilespmem:s22+$0x750];
	v39 =	vperm.xlane v16, v11;
	[tilespmem:s22+$0x6C0] =	vst v17;
	v17 =	vmul.f32 v32, v62  }
0x8b: {  	[tilespmem:s22+$0x6F0] =	vst v41;
	v31 =	vmul.f32 v59, v62;
	v42 =	vld [tilespmem:s22+$0x740]  }
0x8c: {  	v46 =	vld [tilespmem:s22+$0x770];
	[tilespmem:s22+$0x6E0] =	vst v17;
	v17 =	vmul.f32 v35, v39  }
0x8d: {  	[tilespmem:s22+$0x690] =	vst v31;
	v47 =	vmul.f32 v40, v39;
	v45 =	vld [tilespmem:s22+$0x760]  }
0x8e: {  	v36 =	vld [tilespmem:s22+$0x710];
	[tilespmem:s22+$0x700] =	vst v17;
	v17 =	vmul.f32 v38, v39  }
0x8f: {  	v50 =	vmul.f32 v43, v39;
	[tilespmem:s22+$0x730] =	vst v47;
	v48 =	vld [tilespmem:s22+$0x780]  }
0x90: {  	v53 =	vld [tilespmem:s22+$0x7B0];
	[tilespmem:s22+$0x720] =	vst v17;
	v17 =	vmul.f32 v42, v39  }
0x91: {  	v51 =	vld [tilespmem:s22+$0x7A0];
	v54 =	vmul.f32 v46, v39;
	[tilespmem:s22+$0x750] =	vst v50  }
0x92: {  	v56 =	vld [tilespmem:s22+$0x7D0];
	v52 =	vperm.xlane v16, v12;
	[tilespmem:s22+$0x740] =	vst v17;
	v17 =	vmul.f32 v45, v39  }
0x93: {  	[tilespmem:s22+$0x770] =	vst v54;
	v44 =	vmul.f32 v36, v39;
	v55 =	vld [tilespmem:s22+$0x7C0]  }
0x94: {  	v59 =	vld [tilespmem:s22+$0x7F0];
	[tilespmem:s22+$0x760] =	vst v17;
	v17 =	vmul.f32 v48, v52  }
0x95: {  	[tilespmem:s22+$0x710] =	vst v44;
	v60 =	vmul.f32 v53, v52;
	v58 =	vld [tilespmem:s22+$0x7E0]  }
0x96: {  	v49 =	vld [tilespmem:s22+$0x790];
	[tilespmem:s22+$0x780] =	vst v17;
	v17 =	vmul.f32 v51, v52  }
0x97: {  	v63 =	vmul.f32 v56, v52;
	[tilespmem:s22+$0x7B0] =	vst v60;
	v61 =	vld [tilespmem:s22+$0x800]  }
0x98: {  	v30 =	vld [tilespmem:s22+$0x830];
	[tilespmem:s22+$0x7A0] =	vst v17;
	v17 =	vmul.f32 v55, v52  }
0x99: {  	v28 =	vld [tilespmem:s22+$0x820];
	v31 =	vmul.f32 v59, v52;
	[tilespmem:s22+$0x7D0] =	vst v63  }
0x9a: {  	v33 =	vld [tilespmem:s22+$0x850];
	v29 =	vperm.xlane v16, v13;
	[tilespmem:s22+$0x7C0] =	vst v17;
	v17 =	vmul.f32 v58, v52  }
0x9b: {  	[tilespmem:s22+$0x7F0] =	vst v31;
	v57 =	vmul.f32 v49, v52;
	v32 =	vld [tilespmem:s22+$0x840]  }
0x9c: {  	v36 =	vld [tilespmem:s22+$0x870];
	[tilespmem:s22+$0x7E0] =	vst v17;
	v17 =	vmul.f32 v61, v29  }
0x9d: {  	[tilespmem:s22+$0x790] =	vst v57;
	v37 =	vmul.f32 v30, v29;
	v35 =	vld [tilespmem:s22+$0x860]  }
0x9e: {  	v62 =	vld [tilespmem:s22+$0x810];
	[tilespmem:s22+$0x800] =	vst v17;
	v17 =	vmul.f32 v28, v29  }
0x9f: {  	v40 =	vmul.f32 v33, v29;
	[tilespmem:s22+$0x830] =	vst v37;
	v38 =	vld [tilespmem:s22+$0x880]  }
0xa0: {  	v43 =	vld [tilespmem:s22+$0x8B0];
	[tilespmem:s22+$0x820] =	vst v17;
	v17 =	vmul.f32 v32, v29  }
0xa1: {  	v41 =	vld [tilespmem:s22+$0x8A0];
	v44 =	vmul.f32 v36, v29;
	[tilespmem:s22+$0x850] =	vst v40  }
0xa2: {  	v46 =	vld [tilespmem:s22+$0x8D0];
	v42 =	vperm.xlane v16, v14;
	[tilespmem:s22+$0x840] =	vst v17;
	v17 =	vmul.f32 v35, v29  }
0xa3: {  	[tilespmem:s22+$0x870] =	vst v44;
	v34 =	vmul.f32 v62, v29;
	v45 =	vld [tilespmem:s22+$0x8C0]  }
0xa4: {  	v49 =	vld [tilespmem:s22+$0x8F0];
	[tilespmem:s22+$0x860] =	vst v17;
	v17 =	vmul.f32 v38, v42  }
0xa5: {  	[tilespmem:s22+$0x810] =	vst v34;
	v50 =	vmul.f32 v43, v42;
	v48 =	vld [tilespmem:s22+$0x8E0]  }
0xa6: {  	v39 =	vld [tilespmem:s22+$0x890];
	[tilespmem:s22+$0x880] =	vst v17;
	v17 =	vmul.f32 v41, v42  }
0xa7: {  	v53 =	vmul.f32 v46, v42;
	[tilespmem:s22+$0x8B0] =	vst v50;
	v51 =	vld [tilespmem:s22+$0x900]  }
0xa8: {  	v55 =	vld [tilespmem:s22+$0x930];
	[tilespmem:s22+$0x8A0] =	vst v17;
	v17 =	vmul.f32 v45, v42  }
0xa9: {  	v54 =	vld [tilespmem:s22+$0x920];
	v56 =	vmul.f32 v49, v42;
	[tilespmem:s22+$0x8D0] =	vst v53  }
0xaa: {  	v16 =	vperm.xlane v16, v15;
	v52 =	vld [tilespmem:s22+$0x910];
	[tilespmem:s22+$0x8C0] =	vst v17;
	v17 =	vmul.f32 v48, v42  }
0xab: {  	v57 =	vld [tilespmem:s22+$0x940];
	[tilespmem:s22+$0x8F0] =	vst v56;
	v47 =	vmul.f32 v39, v42  }
0xac: {  	v58 =	vld [tilespmem:s22+$0x950];
	[tilespmem:s22+$0x8E0] =	vst v17;
	v17 =	vmul.f32 v51, v16  }
0xad: {  	v60 =	vld [tilespmem:s22+$0x960];
	[tilespmem:s22+$0x890] =	vst v47;
	v62 =	vmul.f32 v55, v16  }
0xae: {  	v61 =	vld [tilespmem:s22+$0x970];
	[tilespmem:s22+$0x900] =	vst v17;
	v17 =	vmul.f32 v54, v16  }
0xaf: {  	v59 =	vmul.f32 v52, v16;
	[tilespmem:s22+$0x930] =	vst v62  }
0xb0: {  	p0 =	sne.s32 s21, $0x4;
	[tilespmem:s22+$0x920] =	vst v17;
	v17 =	vmul.f32 v57, v16  }
.Ltmp0:
0xb1: {  	v63 =	vmul.f32 v58, v16;
	[tilespmem:s22+$0x910] =	vst v59;
	(pc) =	sbr.rel @p0 .LBB2_3-.Ltmp0, $4  }
0xb2: {  	[tilespmem:s22+$0x940] =	vst v17;
	v17 =	vmul.f32 v60, v16  }
0xb3: {  	[tilespmem:s22+$0x950] =	vst v63;
	v16 =	vmul.f32 v61, v16  }
0xb4: {  	[tilespmem:s22+$0x960] =	vst v17  }
0xb5: {  	s21 =	sadd.s32 $0x1, s21;
	[tilespmem:s22+$0x970] =	vst v16  }
0xb6: {  	s20 =	sadd.s32 $0x1, s20  }
0xb7: {  	p0 =	sne.s32 s20, $0x7D  }
.Ltmp1:
0xb8: {  	_ = 	snop;
	(pc) =	sbr.rel @p0 .LBB2_2-.Ltmp1, $4  }
0xb9: {  	[spmem:s6] =	stream.indirect.scatter.add.f32 [tilespmem:s18], [sflag:$0x2], $0x80, s15, s17, $0xb8;
	[tilespmem:$0x16980] =	vst v63  }
0xba: {  	_ =	swait.ge [sflag:s14], $0x2800  }
0xbb: {  	[sflag:s14] =	ssyncset.done $0x0  }
0xbc: {  	[sflag:s14] =	ssyncadd.s32 $0xFFFFD800  }
0xbd: {  	s7 =	sadd.s32 $0x1, s7  }
0xbe: {  	p0 =	sne.s32 s7, s12  }
.Ltmp2:
0xbf: {  	[bflag:$0x0] =	sbarrier.arrive $0xFFFF;
	(pc) =	sbr.rel @p0 .LBB2_1-.Ltmp2, $4  }
0xc0: {  	[hbm:s11], [sflag:s9] =	dma.local [spmem:s13], $0x2800  }
0xc1: {  	_ =	swait.ge [sflag:s14], $0x2800  }
0xc2: {  	[sflag:s14] =	ssyncset.done $0x0  }
0xc3: {  	[sflag:s14] =	ssyncadd.s32 $0xFFFFD800  }
0xc4: {  	_ =	sfence.sel $0x180000  }
0xc5: {  	[bflag:$0x0] =	sbarrier.arrive $0xFFFF  }
0xc6: {  	p0 =	sne.s32 s2, $0x0;
	_ =	strace $0x90000047  }
0xc7: {  	s0 =	sadd.s32 @!p0 $0x100000, s5;
	[bflag:$0x2] =	sbarrier.arrive $0xFFFF  }
0xc8: {  	[sflag:s0] =	ssyncadd.tile.s32 @!p0 $0x1;
	_ =	shalt  }
.Lfunc_end2:
_tile_overlayer_lowered:
.L_overlay_start_2:
0xc9: {  	(tag) =	ssettag $0x2  }
0xca: {  	s0 =	rddreg [dreg:$0x0];
	s2 =	stileid.u32  }
0xcb: {  	s1 =	rddreg [dreg:$0x1];
	p0 =	sne.s32 s2, $0x0  }
0xcc: {  	s3 =	rddreg [dreg:$0x2];
	[bflag:$0x3] =	sbarrier.arrive $0xFFFF;
	s2 =	simm.s32 @!p0 $0x1C02  }
0xcd: {  	[timem:s3], [sflag:s2] =	dma.local @!p0 [hbm:s0], s1  }
0xce: {  	s0 =	simm.s32 @!p0 $0x2  }
0xcf: {  	_ =	swait.ge @!p0 [sflag:s0], s1  }
0xd0: {  	s1 =	ssub.s32 @!p0 $0x0, s1;
	[sflag:s0] =	ssyncset.done @!p0 $0x0  }
0xd1: {  	[sflag:s0] =	ssyncadd.s32 @!p0 s1  }
0xd2: {  	[bflag:$0x3] =	sbarrier.arrive $0xFFFF  }
0xd3: {  	_ =	shalt  }

</sc_bundles>
